<compile_context>
chip_gen: v7x
topology: tpu7x:2x2x1
jax: 0.10.2.dev20260603
libtpu: 0.0.44.dev20260713+nightly
codegen_flags: <defaults>
</compile_context>

<pallas_src>
import functools

import jax
import jax.numpy as jnp
from jax import lax
from jax.experimental import pallas as pl
from jax.experimental.pallas import tpu as pltpu
from jax.experimental.pallas import tpu_sc as plsc

B = 4096
HIST = 200
D = 16

NC = 2
NS = 16
NW = NC * NS

SEQ_N = B * HIST
SEQ_PER_W = SEQ_N // NW
CH = 2560
NCH = SEQ_PER_W // CH
NPAIR = NCH // 2
IPG = 128
GPC = CH // IPG
SMALL_PER_W = B // NW


def _sc_body(s0, s1, s2, wseq0, wseq1, wseq2,
             u0, u1, u2, u3, u4, wu0, wu1, wu2, wu3, wu4,
             ts0, ts1, ts2,
             ti0, ti1, ti2, wi0, wi1, wi2,
             mask_o, user_o, seq_o, tseq_o, tside_o,
             idx0, idx1, m0, m1, rows0, rows1,
             sidxs, srows,
             gsem, wsem0, wsem1, ssem, isem0, isem1):
  wid = lax.axis_index("s") * NC + lax.axis_index("c")
  base = wid * SEQ_PER_W
  sbase = wid * SMALL_PER_W

  small = (
      [(([u0, u1, u2, u3, u4])[i], ([wu0, wu1, wu2, wu3, wu4])[i], user_o, i)
       for i in range(5)]
      + [(([ts0, ts1, ts2])[i], ([wseq0, wseq1, wseq2])[i], tseq_o, i)
         for i in range(3)]
      + [(([ti0, ti1, ti2])[i], ([wi0, wi1, wi2])[i], tside_o, i)
         for i in range(3)]
  )
  for i, (idx_hbm, _, _, _) in enumerate(small):
    pltpu.async_copy(idx_hbm.at[pl.ds(sbase, SMALL_PER_W)], sidxs[i], ssem)

  sidx = [s0, s1, s2]
  wseq = [wseq0, wseq1, wseq2]
  idxs = [idx0, idx1]
  masks = [m0, m1]
  rows = [rows0, rows1]
  wsems = [wsem0, wsem1]
  isems = [isem0, isem1]

  def fire(t, p):
    def go(j, _):
      pltpu.async_copy(
          wseq[t].at[idxs[p].at[pl.ds(j * IPG, IPG)]],
          rows[p].at[pl.ds(j * IPG, IPG)], gsem)
      return 0
    lax.fori_loop(0, GPC, go, 0)

  def drain():
    def go(j, _):
      pltpu.make_async_copy(
          wseq[0].at[idx0.at[pl.ds(0, IPG)]],
          rows0.at[pl.ds(0, IPG)], gsem).wait()
      return 0
    lax.fori_loop(0, GPC, go, 0)

  def wait_write(p):
    pltpu.make_async_copy(
        rows[p], seq_o.at[pl.ds(0, CH), pl.ds(0, 16)], wsems[p]).wait()

  pltpu.async_copy(s0.at[pl.ds(base, CH)], idx0, isem0)

  def pair_body(k, _):
    for half in range(2):
      c = 2 * k + half
      pos = base + c * CH
      for t in range(3):
        stage = 3 * half + t
        p = stage % 2
        pltpu.make_async_copy(
            s0.at[pl.ds(0, CH)], idxs[p], isems[p]).wait()
        if stage < 2:
          @pl.when(k > 0)
          def _():
            wait_write(p)
        else:
          wait_write(p)
        fire(t, p)
        if t < 2:
          pltpu.async_copy(
              sidx[t + 1].at[pl.ds(pos, CH)], idxs[1 - p], isems[1 - p])
        elif half == 0:
          pltpu.async_copy(
              s0.at[pl.ds(pos + CH, CH)], idxs[1 - p], isems[1 - p])
        else:
          @pl.when(k < NPAIR - 1)
          def _():
            pltpu.async_copy(
                s0.at[pl.ds(pos + CH, CH)], idxs[1 - p], isems[1 - p])
        if t == 0:
          def mask_body(j, _):
            v = idxs[p][pl.ds(j * 16, 16)]
            masks[p][pl.ds(j * 16, 16)] = jnp.where(
                v != 0, jnp.int32(1), jnp.int32(0))
            return 0
          lax.fori_loop(0, CH // 16, mask_body, 0)
          pltpu.sync_copy(masks[p], mask_o.at[pl.ds(pos, CH)])
        drain()
        pltpu.async_copy(
            rows[p], seq_o.at[pl.ds(pos, CH), pl.ds(16 * t, 16)], wsems[p])
    return 0

  lax.fori_loop(0, NPAIR, pair_body, 0)
  wait_write(0)
  wait_write(1)

  for i, (idx_hbm, _, _, _) in enumerate(small):
    pltpu.make_async_copy(
        idx_hbm.at[pl.ds(sbase, SMALL_PER_W)], sidxs[i], ssem).wait()
  for i, (_, table, _, _) in enumerate(small):
    pltpu.async_copy(table.at[sidxs[i]], srows[i], ssem)
  for i, (_, table, _, _) in enumerate(small):
    pltpu.make_async_copy(table.at[sidxs[i]], srows[i], ssem).wait()
  for i, (_, _, out, col) in enumerate(small):
    pltpu.async_copy(
        srows[i], out.at[pl.ds(sbase, SMALL_PER_W), pl.ds(16 * col, 16)],
        wsem0)
  for i, (_, _, out, col) in enumerate(small):
    pltpu.make_async_copy(
        srows[i], out.at[pl.ds(sbase, SMALL_PER_W), pl.ds(16 * col, 16)],
        wsem0).wait()


_sc_call = functools.partial(
    pl.kernel,
    mesh=plsc.VectorSubcoreMesh(
        core_axis_name="c", subcore_axis_name="s", num_cores=NC),
    out_type=[
        jax.ShapeDtypeStruct((SEQ_N,), jnp.int32),
        jax.ShapeDtypeStruct((B, 5 * D), jnp.float32),
        jax.ShapeDtypeStruct((SEQ_N, 3 * D), jnp.float32),
        jax.ShapeDtypeStruct((B, 3 * D), jnp.float32),
        jax.ShapeDtypeStruct((B, 3 * D), jnp.float32),
    ],
    scratch_types=[
        pltpu.VMEM((CH,), jnp.int32),
        pltpu.VMEM((CH,), jnp.int32),
        pltpu.VMEM((CH,), jnp.int32),
        pltpu.VMEM((CH,), jnp.int32),
        pltpu.VMEM((CH, D), jnp.float32),
        pltpu.VMEM((CH, D), jnp.float32),
        [pltpu.VMEM((SMALL_PER_W,), jnp.int32) for _ in range(11)],
        [pltpu.VMEM((SMALL_PER_W, D), jnp.float32) for _ in range(11)],
        pltpu.SemaphoreType.DMA,
        pltpu.SemaphoreType.DMA,
        pltpu.SemaphoreType.DMA,
        pltpu.SemaphoreType.DMA,
        pltpu.SemaphoreType.DMA,
        pltpu.SemaphoreType.DMA,
    ],
    compiler_params=pltpu.CompilerParams(
        use_tc_tiling_on_sc=False, needs_layout_passes=False),
)(_sc_body)


@jax.jit
def kernel(dense_inputs, target_user_side, seq_inputs, target_item_seq,
           target_item_side,
           W_seq0, W_seq1, W_seq2,
           W_user0, W_user1, W_user2, W_user3, W_user4,
           W_item0, W_item1, W_item2):
  del dense_inputs
  s = [seq_inputs[:, :, i].reshape(-1) for i in range(3)]
  u = [target_user_side[:, i] for i in range(5)]
  ts = [target_item_seq[:, i] for i in range(3)]
  ti = [target_item_side[:, i] for i in range(3)]

  mask_i, user_side, seq_embed, tseq, tside = _sc_call(
      s[0], s[1], s[2], W_seq0, W_seq1, W_seq2,
      u[0], u[1], u[2], u[3], u[4],
      W_user0, W_user1, W_user2, W_user3, W_user4,
      ts[0], ts[1], ts[2],
      ti[0], ti[1], ti[2], W_item0, W_item1, W_item2)

  mask_bool = mask_i.reshape(B, HIST).astype(jnp.bool_)
  return (mask_bool, user_side, seq_embed.reshape(B, HIST, 3 * D),
          tseq, tside)

# --- scband reference (transcript-rebuilt; emitter-appended) ---
"""Pipeline reference for scband-embedding-layer-48155173323138 (READ-ONLY COPY).

The authoritative reference and input builder live on the scoring server;
editing this copy changes nothing except your own understanding.
"""

import jax, jax.numpy as jnp
import numpy as np

B = 4096
HIST = 200
VSEQ = 1000000
VSIDE = 100000
D = 16

def setup_inputs(seed: int = 0):
    key = jax.random.key(seed)
    ks = jax.random.split(key, 16)
    inp = {}
    inp["dense_inputs"] = jax.random.normal(ks[0], (B, 13), dtype=jnp.float32)
    inp["target_user_side"] = jax.random.randint(ks[1], (B, 5), 0, VSIDE)
    inp["seq_inputs"] = jax.random.randint(ks[2], (B, HIST, 3), 0, VSEQ)
    inp["target_item_seq"] = jax.random.randint(ks[3], (B, 3), 0, VSEQ)
    inp["target_item_side"] = jax.random.randint(ks[4], (B, 3), 0, VSIDE)
    for i in range(3):
        inp["W_seq%d" % i] = jax.random.uniform(ks[5 + i], (VSEQ, D), minval=-0.05, maxval=0.05, dtype=jnp.float32)
    for i in range(5):
        inp["W_user%d" % i] = jax.random.uniform(ks[8 + i], (VSIDE, D), minval=-0.05, maxval=0.05, dtype=jnp.float32)
    for i in range(3):
        inp["W_item%d" % i] = jax.random.uniform(ks[13 + i], (VSIDE, D), minval=-0.05, maxval=0.05, dtype=jnp.float32)
    return inp

def reference(dense_inputs, target_user_side, seq_inputs, target_item_seq, target_item_side,
              W_seq0, W_seq1, W_seq2,
              W_user0, W_user1, W_user2, W_user3, W_user4,
              W_item0, W_item1, W_item2):
    Wseq = [W_seq0, W_seq1, W_seq2]
    Wuser = [W_user0, W_user1, W_user2, W_user3, W_user4]
    Witem = [W_item0, W_item1, W_item2]
    mask_bool = jnp.not_equal(seq_inputs[:, :, 0], 0)
    user_side = jnp.concatenate([jnp.take(Wuser[i], target_user_side[:, i], axis=0) for i in range(5)], axis=-1)
    seq_embed = jnp.concatenate([jnp.take(Wseq[i], seq_inputs[:, :, i], axis=0) for i in range(3)], axis=-1)
    target_embed_seq = jnp.concatenate([jnp.take(Wseq[i], target_item_seq[:, i], axis=0) for i in range(3)], axis=-1)
    target_embed_side = jnp.concatenate([jnp.take(Witem[i], target_item_side[:, i], axis=0) for i in range(3)], axis=-1)
    return (mask_bool, user_side, seq_embed, target_embed_seq, target_embed_side)

if __name__ == "__main__":
    import jax
    _d = setup_inputs()
    print(jax.jit(kernel)(*tuple(_d.values())))

</pallas_src>

<mosaic_0001>
#map = affine_map<(d0, d1) -> (0)>
#map1 = affine_map<(d0, d1) -> (0, 0)>
module attributes {stable_mosaic.version = 14 : i64} {
  func.func @_sc_body(%arg0: i32, %arg1: i32, %arg2: memref<819200xi32, #tpu.memory_space<hbm>>, %arg3: memref<819200xi32, #tpu.memory_space<hbm>>, %arg4: memref<819200xi32, #tpu.memory_space<hbm>>, %arg5: memref<1000000x16xf32, #tpu.memory_space<hbm>>, %arg6: memref<1000000x16xf32, #tpu.memory_space<hbm>>, %arg7: memref<1000000x16xf32, #tpu.memory_space<hbm>>, %arg8: memref<4096xi32, #tpu.memory_space<hbm>>, %arg9: memref<4096xi32, #tpu.memory_space<hbm>>, %arg10: memref<4096xi32, #tpu.memory_space<hbm>>, %arg11: memref<4096xi32, #tpu.memory_space<hbm>>, %arg12: memref<4096xi32, #tpu.memory_space<hbm>>, %arg13: memref<100000x16xf32, #tpu.memory_space<hbm>>, %arg14: memref<100000x16xf32, #tpu.memory_space<hbm>>, %arg15: memref<100000x16xf32, #tpu.memory_space<hbm>>, %arg16: memref<100000x16xf32, #tpu.memory_space<hbm>>, %arg17: memref<100000x16xf32, #tpu.memory_space<hbm>>, %arg18: memref<4096xi32, #tpu.memory_space<hbm>>, %arg19: memref<4096xi32, #tpu.memory_space<hbm>>, %arg20: memref<4096xi32, #tpu.memory_space<hbm>>, %arg21: memref<4096xi32, #tpu.memory_space<hbm>>, %arg22: memref<4096xi32, #tpu.memory_space<hbm>>, %arg23: memref<4096xi32, #tpu.memory_space<hbm>>, %arg24: memref<100000x16xf32, #tpu.memory_space<hbm>>, %arg25: memref<100000x16xf32, #tpu.memory_space<hbm>>, %arg26: memref<100000x16xf32, #tpu.memory_space<hbm>>, %arg27: memref<819200xi32, #tpu.memory_space<hbm>>, %arg28: memref<4096x80xf32, #tpu.memory_space<hbm>>, %arg29: memref<819200x48xf32, #tpu.memory_space<hbm>>, %arg30: memref<4096x48xf32, #tpu.memory_space<hbm>>, %arg31: memref<4096x48xf32, #tpu.memory_space<hbm>>, %arg32: memref<2560xi32, #tpu.memory_space<vmem>>, %arg33: memref<2560xi32, #tpu.memory_space<vmem>>, %arg34: memref<2560xi32, #tpu.memory_space<vmem>>, %arg35: memref<2560xi32, #tpu.memory_space<vmem>>, %arg36: memref<2560x16xf32, #tpu.memory_space<vmem>>, %arg37: memref<2560x16xf32, #tpu.memory_space<vmem>>, %arg38: memref<128xi32, #tpu.memory_space<vmem>>, %arg39: memref<128xi32, #tpu.memory_space<vmem>>, %arg40: memref<128xi32, #tpu.memory_space<vmem>>, %arg41: memref<128xi32, #tpu.memory_space<vmem>>, %arg42: memref<128xi32, #tpu.memory_space<vmem>>, %arg43: memref<128xi32, #tpu.memory_space<vmem>>, %arg44: memref<128xi32, #tpu.memory_space<vmem>>, %arg45: memref<128xi32, #tpu.memory_space<vmem>>, %arg46: memref<128xi32, #tpu.memory_space<vmem>>, %arg47: memref<128xi32, #tpu.memory_space<vmem>>, %arg48: memref<128xi32, #tpu.memory_space<vmem>>, %arg49: memref<128x16xf32, #tpu.memory_space<vmem>>, %arg50: memref<128x16xf32, #tpu.memory_space<vmem>>, %arg51: memref<128x16xf32, #tpu.memory_space<vmem>>, %arg52: memref<128x16xf32, #tpu.memory_space<vmem>>, %arg53: memref<128x16xf32, #tpu.memory_space<vmem>>, %arg54: memref<128x16xf32, #tpu.memory_space<vmem>>, %arg55: memref<128x16xf32, #tpu.memory_space<vmem>>, %arg56: memref<128x16xf32, #tpu.memory_space<vmem>>, %arg57: memref<128x16xf32, #tpu.memory_space<vmem>>, %arg58: memref<128x16xf32, #tpu.memory_space<vmem>>, %arg59: memref<128x16xf32, #tpu.memory_space<vmem>>, %arg60: memref<!tpu.dma_semaphore, #tpu.memory_space<semaphore_mem>>, %arg61: memref<!tpu.dma_semaphore, #tpu.memory_space<semaphore_mem>>, %arg62: memref<!tpu.dma_semaphore, #tpu.memory_space<semaphore_mem>>, %arg63: memref<!tpu.dma_semaphore, #tpu.memory_space<semaphore_mem>>, %arg64: memref<!tpu.dma_semaphore, #tpu.memory_space<semaphore_mem>>, %arg65: memref<!tpu.dma_semaphore, #tpu.memory_space<semaphore_mem>>) attributes {dimension_semantics = [#tpu.dimension_semantics<core_parallel>, #tpu.dimension_semantics<subcore_parallel>], iteration_bounds = array<i64: 2, 16>, scalar_prefetch = 0 : i64, scratch_operands = 34 : i64, tpu.core_type = #tpu.core_type<sc_vector_subcore>, window_params = [{transform_indices = #map}, {transform_indices = #map}, {transform_indices = #map}, {transform_indices = #map1}, {transform_indices = #map1}, {transform_indices = #map1}, {transform_indices = #map}, {transform_indices = #map}, {transform_indices = #map}, {transform_indices = #map}, {transform_indices = #map}, {transform_indices = #map1}, {transform_indices = #map1}, {transform_indices = #map1}, {transform_indices = #map1}, {transform_indices = #map1}, {transform_indices = #map}, {transform_indices = #map}, {transform_indices = #map}, {transform_indices = #map}, {transform_indices = #map}, {transform_indices = #map}, {transform_indices = #map1}, {transform_indices = #map1}, {transform_indices = #map1}, {transform_indices = #map}, {transform_indices = #map1}, {transform_indices = #map1}, {transform_indices = #map1}, {transform_indices = #map1}]} {
    %mul3A = arith.constant 2 : i32
    %mul3A_0 = arith.muli %arg1, %mul3A : i32
    %add3A = arith.addi %mul3A_0, %arg0 : i32
    %mul3A_1 = arith.constant 25600 : i32
    %mul3A_2 = arith.muli %add3A, %mul3A_1 : i32
    %mul3A_3 = arith.constant 128 : i32
    %mul3A_4 = arith.muli %add3A, %mul3A_3 : i32
    %dma_start3A = tpu.memref_slice %arg8[%mul3A_4] : memref<4096xi32, #tpu.memory_space<hbm>> -> memref<128xi32, #tpu.memory_space<hbm>>
    %dma_start3A_5 = tpu.memref_slice %arg8[%mul3A_4] : memref<4096xi32, #tpu.memory_space<hbm>> -> memref<128xi32, #tpu.memory_space<hbm>>
    tpu.enqueue_dma source(%dma_start3A_5 : memref<128xi32, #tpu.memory_space<hbm>>) target(%arg38 : memref<128xi32, #tpu.memory_space<vmem>>) target_semaphore(%arg63 : memref<!tpu.dma_semaphore, #tpu.memory_space<semaphore_mem>>)
    %dma_start3A_6 = tpu.memref_slice %arg9[%mul3A_4] : memref<4096xi32, #tpu.memory_space<hbm>> -> memref<128xi32, #tpu.memory_space<hbm>>
    %dma_start3A_7 = tpu.memref_slice %arg9[%mul3A_4] : memref<4096xi32, #tpu.memory_space<hbm>> -> memref<128xi32, #tpu.memory_space<hbm>>
    tpu.enqueue_dma source(%dma_start3A_7 : memref<128xi32, #tpu.memory_space<hbm>>) target(%arg39 : memref<128xi32, #tpu.memory_space<vmem>>) target_semaphore(%arg63 : memref<!tpu.dma_semaphore, #tpu.memory_space<semaphore_mem>>)
    %dma_start3A_8 = tpu.memref_slice %arg10[%mul3A_4] : memref<4096xi32, #tpu.memory_space<hbm>> -> memref<128xi32, #tpu.memory_space<hbm>>
    %dma_start3A_9 = tpu.memref_slice %arg10[%mul3A_4] : memref<4096xi32, #tpu.memory_space<hbm>> -> memref<128xi32, #tpu.memory_space<hbm>>
    tpu.enqueue_dma source(%dma_start3A_9 : memref<128xi32, #tpu.memory_space<hbm>>) target(%arg40 : memref<128xi32, #tpu.memory_space<vmem>>) target_semaphore(%arg63 : memref<!tpu.dma_semaphore, #tpu.memory_space<semaphore_mem>>)
    %dma_start3A_10 = tpu.memref_slice %arg11[%mul3A_4] : memref<4096xi32, #tpu.memory_space<hbm>> -> memref<128xi32, #tpu.memory_space<hbm>>
    %dma_start3A_11 = tpu.memref_slice %arg11[%mul3A_4] : memref<4096xi32, #tpu.memory_space<hbm>> -> memref<128xi32, #tpu.memory_space<hbm>>
    tpu.enqueue_dma source(%dma_start3A_11 : memref<128xi32, #tpu.memory_space<hbm>>) target(%arg41 : memref<128xi32, #tpu.memory_space<vmem>>) target_semaphore(%arg63 : memref<!tpu.dma_semaphore, #tpu.memory_space<semaphore_mem>>)
    %dma_start3A_12 = tpu.memref_slice %arg12[%mul3A_4] : memref<4096xi32, #tpu.memory_space<hbm>> -> memref<128xi32, #tpu.memory_space<hbm>>
    %dma_start3A_13 = tpu.memref_slice %arg12[%mul3A_4] : memref<4096xi32, #tpu.memory_space<hbm>> -> memref<128xi32, #tpu.memory_space<hbm>>
    tpu.enqueue_dma source(%dma_start3A_13 : memref<128xi32, #tpu.memory_space<hbm>>) target(%arg42 : memref<128xi32, #tpu.memory_space<vmem>>) target_semaphore(%arg63 : memref<!tpu.dma_semaphore, #tpu.memory_space<semaphore_mem>>)
    %dma_start3A_14 = tpu.memref_slice %arg18[%mul3A_4] : memref<4096xi32, #tpu.memory_space<hbm>> -> memref<128xi32, #tpu.memory_space<hbm>>
    %dma_start3A_15 = tpu.memref_slice %arg18[%mul3A_4] : memref<4096xi32, #tpu.memory_space<hbm>> -> memref<128xi32, #tpu.memory_space<hbm>>
    tpu.enqueue_dma source(%dma_start3A_15 : memref<128xi32, #tpu.memory_space<hbm>>) target(%arg43 : memref<128xi32, #tpu.memory_space<vmem>>) target_semaphore(%arg63 : memref<!tpu.dma_semaphore, #tpu.memory_space<semaphore_mem>>)
    %dma_start3A_16 = tpu.memref_slice %arg19[%mul3A_4] : memref<4096xi32, #tpu.memory_space<hbm>> -> memref<128xi32, #tpu.memory_space<hbm>>
    %dma_start3A_17 = tpu.memref_slice %arg19[%mul3A_4] : memref<4096xi32, #tpu.memory_space<hbm>> -> memref<128xi32, #tpu.memory_space<hbm>>
    tpu.enqueue_dma source(%dma_start3A_17 : memref<128xi32, #tpu.memory_space<hbm>>) target(%arg44 : memref<128xi32, #tpu.memory_space<vmem>>) target_semaphore(%arg63 : memref<!tpu.dma_semaphore, #tpu.memory_space<semaphore_mem>>)
    %dma_start3A_18 = tpu.memref_slice %arg20[%mul3A_4] : memref<4096xi32, #tpu.memory_space<hbm>> -> memref<128xi32, #tpu.memory_space<hbm>>
    %dma_start3A_19 = tpu.memref_slice %arg20[%mul3A_4] : memref<4096xi32, #tpu.memory_space<hbm>> -> memref<128xi32, #tpu.memory_space<hbm>>
    tpu.enqueue_dma source(%dma_start3A_19 : memref<128xi32, #tpu.memory_space<hbm>>) target(%arg45 : memref<128xi32, #tpu.memory_space<vmem>>) target_semaphore(%arg63 : memref<!tpu.dma_semaphore, #tpu.memory_space<semaphore_mem>>)
    %dma_start3A_20 = tpu.memref_slice %arg21[%mul3A_4] : memref<4096xi32, #tpu.memory_space<hbm>> -> memref<128xi32, #tpu.memory_space<hbm>>
    %dma_start3A_21 = tpu.memref_slice %arg21[%mul3A_4] : memref<4096xi32, #tpu.memory_space<hbm>> -> memref<128xi32, #tpu.memory_space<hbm>>
    tpu.enqueue_dma source(%dma_start3A_21 : memref<128xi32, #tpu.memory_space<hbm>>) target(%arg46 : memref<128xi32, #tpu.memory_space<vmem>>) target_semaphore(%arg63 : memref<!tpu.dma_semaphore, #tpu.memory_space<semaphore_mem>>)
    %dma_start3A_22 = tpu.memref_slice %arg22[%mul3A_4] : memref<4096xi32, #tpu.memory_space<hbm>> -> memref<128xi32, #tpu.memory_space<hbm>>
    %dma_start3A_23 = tpu.memref_slice %arg22[%mul3A_4] : memref<4096xi32, #tpu.memory_space<hbm>> -> memref<128xi32, #tpu.memory_space<hbm>>
    tpu.enqueue_dma source(%dma_start3A_23 : memref<128xi32, #tpu.memory_space<hbm>>) target(%arg47 : memref<128xi32, #tpu.memory_space<vmem>>) target_semaphore(%arg63 : memref<!tpu.dma_semaphore, #tpu.memory_space<semaphore_mem>>)
    %dma_start3A_24 = tpu.memref_slice %arg23[%mul3A_4] : memref<4096xi32, #tpu.memory_space<hbm>> -> memref<128xi32, #tpu.memory_space<hbm>>
    %dma_start3A_25 = tpu.memref_slice %arg23[%mul3A_4] : memref<4096xi32, #tpu.memory_space<hbm>> -> memref<128xi32, #tpu.memory_space<hbm>>
    tpu.enqueue_dma source(%dma_start3A_25 : memref<128xi32, #tpu.memory_space<hbm>>) target(%arg48 : memref<128xi32, #tpu.memory_space<vmem>>) target_semaphore(%arg63 : memref<!tpu.dma_semaphore, #tpu.memory_space<semaphore_mem>>)
    %dma_start3A_26 = tpu.memref_slice %arg2[%mul3A_2] : memref<819200xi32, #tpu.memory_space<hbm>> -> memref<2560xi32, #tpu.memory_space<hbm>>
    %dma_start3A_27 = tpu.memref_slice %arg2[%mul3A_2] : memref<819200xi32, #tpu.memory_space<hbm>> -> memref<2560xi32, #tpu.memory_space<hbm>>
    tpu.enqueue_dma source(%dma_start3A_27 : memref<2560xi32, #tpu.memory_space<hbm>>) target(%arg32 : memref<2560xi32, #tpu.memory_space<vmem>>) target_semaphore(%arg64 : memref<!tpu.dma_semaphore, #tpu.memory_space<semaphore_mem>>)
    %scan3A = arith.constant 0 : i32
    %scan3A_28 = arith.constant 0 : i32
    %scan3A_29 = arith.constant 5 : i32
    %scan3A_30 = arith.addi %scan3A_28, %scan3A_29 : i32
    %scan3A_31 = arith.constant 1 : i32
    %scan3A_32 = scf.for %scan3A_221 = %scan3A_28 to %scan3A_30 step %scan3A_31 iter_args(%scan3A_222 = %scan3A) -> (i32)  : i32 {
      %mul3A_223 = arith.constant 2 : i32
      %mul3A_224 = arith.muli %mul3A_223, %scan3A_221 : i32
      %add3A_225 = arith.constant 0 : i32
      %add3A_226 = arith.addi %mul3A_224, %add3A_225 : i32
      %mul3A_227 = arith.constant 2560 : i32
      %mul3A_228 = arith.muli %add3A_226, %mul3A_227 : i32
      %add3A_229 = arith.addi %mul3A_2, %mul3A_228 : i32
      %dma_wait3A_230 = arith.constant 0 : i32
      %dma_wait3A_231 = tpu.memref_slice %arg2[%dma_wait3A_230] : memref<819200xi32, #tpu.memory_space<hbm>> -> memref<2560xi32, #tpu.memory_space<hbm>>
      %dma_wait3A_232 = arith.constant 0 : i32
      %dma_wait3A_233 = tpu.memref_slice %arg2[%dma_wait3A_232] : memref<819200xi32, #tpu.memory_space<hbm>> -> memref<2560xi32, #tpu.memory_space<hbm>>
      tpu.wait_dma2 semaphore(%arg64 : memref<!tpu.dma_semaphore, #tpu.memory_space<semaphore_mem>>) src(%dma_wait3A_233 : memref<2560xi32, #tpu.memory_space<hbm>>) dst(%arg32 : memref<2560xi32, #tpu.memory_space<vmem>>)
      %gt3A = arith.constant 0 : i32
      %gt3A_234 = arith.cmpi sgt, %scan3A_221, %gt3A : i32
      %convert_element_type3A = arith.extui %gt3A_234 : i1 to i32
      %cond3A = arith.constant 0 : i32
      %cond3A_235 = arith.cmpi ne, %convert_element_type3A, %cond3A : i32
      scf.if %cond3A_235 {
        %dma_wait3A_431 = arith.constant 0 : i32
        %dma_wait3A_432 = arith.constant 0 : i32
        %dma_wait3A_433 = tpu.memref_slice %arg29[%dma_wait3A_431, %dma_wait3A_432] : memref<819200x48xf32, #tpu.memory_space<hbm>> -> memref<2560x16xf32, #tpu.memory_space<hbm>>
        %dma_wait3A_434 = arith.constant 0 : i32
        %dma_wait3A_435 = arith.constant 0 : i32
        %dma_wait3A_436 = tpu.memref_slice %arg29[%dma_wait3A_434, %dma_wait3A_435] : memref<819200x48xf32, #tpu.memory_space<hbm>> -> memref<2560x16xf32, #tpu.memory_space<hbm>>
        tpu.wait_dma2 semaphore(%arg61 : memref<!tpu.dma_semaphore, #tpu.memory_space<semaphore_mem>>) src(%arg36 : memref<2560x16xf32, #tpu.memory_space<vmem>>) dst(%dma_wait3A_436 : memref<2560x16xf32, #tpu.memory_space<hbm>>)
      } else {
      }
      %scan3A_236 = arith.constant 0 : i32
      %scan3A_237 = arith.constant 0 : i32
      %scan3A_238 = arith.constant 20 : i32
      %scan3A_239 = arith.addi %scan3A_237, %scan3A_238 : i32
      %scan3A_240 = arith.constant 1 : i32
      %scan3A_241 = scf.for %scan3A_431 = %scan3A_237 to %scan3A_239 step %scan3A_240 iter_args(%scan3A_432 = %scan3A_236) -> (i32)  : i32 {
        %mul3A_433 = arith.constant 128 : i32
        %mul3A_434 = arith.muli %scan3A_431, %mul3A_433 : i32
        %mul3A_435 = arith.constant 128 : i32
        %mul3A_436 = arith.muli %scan3A_431, %mul3A_435 : i32
        %dma_start3A_437 = arith.constant 0 : i32
        %dma_start3A_438 = tpu.memref_slice %arg36[%mul3A_436, %dma_start3A_437] : memref<2560x16xf32, #tpu.memory_space<vmem>> -> memref<128x16xf32, #tpu.memory_space<vmem>>
        %dma_start3A_439 = tpu.memref_slice %arg32[%mul3A_434] : memref<2560xi32, #tpu.memory_space<vmem>> -> memref<128xi32, #tpu.memory_space<vmem>>
        %dma_start3A_440 = arith.constant 0 : i32
        %dma_start3A_441 = arith.constant 0 : i32
        %dma_start3A_442 = tpu.memref_slice %arg5[%dma_start3A_440, %dma_start3A_441] : memref<1000000x16xf32, #tpu.memory_space<hbm>> -> memref<1000000x16xf32, #tpu.memory_space<hbm>>
        tpu.enqueue_indirect_dma source(%dma_start3A_442 : memref<1000000x16xf32, #tpu.memory_space<hbm>>) target(%dma_start3A_438 : memref<128x16xf32, #tpu.memory_space<vmem>>) offsets(%dma_start3A_439 : memref<128xi32, #tpu.memory_space<vmem>>) semaphore(%arg60 : memref<!tpu.dma_semaphore, #tpu.memory_space<semaphore_mem>>)
        %scan3A_443 = arith.constant 0 : i32
        scf.yield %scan3A_443 : i32
      }
      %scan3A_242 = arith.constant 20 : i32
      %dma_start3A_243 = tpu.memref_slice %arg3[%add3A_229] : memref<819200xi32, #tpu.memory_space<hbm>> -> memref<2560xi32, #tpu.memory_space<hbm>>
      %dma_start3A_244 = tpu.memref_slice %arg3[%add3A_229] : memref<819200xi32, #tpu.memory_space<hbm>> -> memref<2560xi32, #tpu.memory_space<hbm>>
      tpu.enqueue_dma source(%dma_start3A_244 : memref<2560xi32, #tpu.memory_space<hbm>>) target(%arg33 : memref<2560xi32, #tpu.memory_space<vmem>>) target_semaphore(%arg65 : memref<!tpu.dma_semaphore, #tpu.memory_space<semaphore_mem>>)
      %scan3A_245 = arith.constant 0 : i32
      %scan3A_246 = arith.constant 0 : i32
      %scan3A_247 = arith.constant 160 : i32
      %scan3A_248 = arith.addi %scan3A_246, %scan3A_247 : i32
      %scan3A_249 = arith.constant 1 : i32
      %scan3A_250 = scf.for %scan3A_431 = %scan3A_246 to %scan3A_248 step %scan3A_249 iter_args(%scan3A_432 = %scan3A_245) -> (i32)  : i32 {
        %mul3A_433 = arith.constant 16 : i32
        %mul3A_434 = arith.muli %scan3A_431, %mul3A_433 : i32
        %get3A = arith.index_cast %mul3A_434 : i32 to index
        %get3A_435 = tpu.vector_load %arg32[%get3A] {strides = array<i32>} : memref<2560xi32, #tpu.memory_space<vmem>>, vector<16xi32>,
        %ne3A = arith.constant 0 : i32
        %ne3A_436 = vector.broadcast %ne3A : i32 to vector<16xi32>
        %ne3A_437 = arith.cmpi ne, %get3A_435, %ne3A_436 : vector<16xi32>
        %jit3A = arith.constant 1 : i32
        %jit3A_438 = arith.constant 0 : i32
        %broadcast_in_dim3A = vector.broadcast %jit3A : i32 to vector<16xi32>
        %broadcast_in_dim3A_439 = vector.broadcast %jit3A_438 : i32 to vector<16xi32>
        %select_n3A = arith.select %ne3A_437, %broadcast_in_dim3A, %broadcast_in_dim3A_439 : vector<16xi1>, vector<16xi32>
        %mul3A_440 = arith.constant 16 : i32
        %mul3A_441 = arith.muli %scan3A_431, %mul3A_440 : i32
        %swap3A = arith.index_cast %mul3A_441 : i32 to index
        %swap3A_442 = tpu.vector_load %arg34[%swap3A] {strides = array<i32>} : memref<2560xi32, #tpu.memory_space<vmem>>, vector<16xi32>,
        tpu.vector_store %arg34[%swap3A], %select_n3A {strides = array<i32>} : memref<2560xi32, #tpu.memory_space<vmem>>, vector<16xi32>,
        %scan3A_443 = arith.constant 0 : i32
        scf.yield %scan3A_443 : i32
      }
      %scan3A_251 = arith.constant 160 : i32
      "tpu.region"() ({
        %run_scoped3A = tpu.sem_alloc : memref<!tpu.dma_semaphore, #tpu.memory_space<semaphore_mem>>
        %dma_start3A_431 = tpu.memref_slice %arg27[%add3A_229] : memref<819200xi32, #tpu.memory_space<hbm>> -> memref<2560xi32, #tpu.memory_space<hbm>>
        %dma_start3A_432 = tpu.memref_slice %arg27[%add3A_229] : memref<819200xi32, #tpu.memory_space<hbm>> -> memref<2560xi32, #tpu.memory_space<hbm>>
        tpu.enqueue_dma source(%arg34 : memref<2560xi32, #tpu.memory_space<vmem>>) target(%dma_start3A_432 : memref<2560xi32, #tpu.memory_space<hbm>>) target_semaphore(%run_scoped3A : memref<!tpu.dma_semaphore, #tpu.memory_space<semaphore_mem>>)
        %dma_wait3A_433 = tpu.memref_slice %arg27[%add3A_229] : memref<819200xi32, #tpu.memory_space<hbm>> -> memref<2560xi32, #tpu.memory_space<hbm>>
        %dma_wait3A_434 = tpu.memref_slice %arg27[%add3A_229] : memref<819200xi32, #tpu.memory_space<hbm>> -> memref<2560xi32, #tpu.memory_space<hbm>>
        tpu.wait_dma2 semaphore(%run_scoped3A : memref<!tpu.dma_semaphore, #tpu.memory_space<semaphore_mem>>) src(%arg34 : memref<2560xi32, #tpu.memory_space<vmem>>) dst(%dma_wait3A_434 : memref<2560xi32, #tpu.memory_space<hbm>>)
        tpu.yield
      }) : () -> ()
      %scan3A_252 = arith.constant 0 : i32
      %scan3A_253 = arith.constant 0 : i32
      %scan3A_254 = arith.constant 20 : i32
      %scan3A_255 = arith.addi %scan3A_253, %scan3A_254 : i32
      %scan3A_256 = arith.constant 1 : i32
      %scan3A_257 = scf.for %scan3A_431 = %scan3A_253 to %scan3A_255 step %scan3A_256 iter_args(%scan3A_432 = %scan3A_252) -> (i32)  : i32 {
        %dma_wait3A_433 = arith.constant 0 : i32
        %dma_wait3A_434 = arith.constant 0 : i32
        %dma_wait3A_435 = tpu.memref_slice %arg36[%dma_wait3A_433, %dma_wait3A_434] : memref<2560x16xf32, #tpu.memory_space<vmem>> -> memref<128x16xf32, #tpu.memory_space<vmem>>
        %dma_wait3A_436 = arith.constant 0 : i32
        %dma_wait3A_437 = tpu.memref_slice %arg32[%dma_wait3A_436] : memref<2560xi32, #tpu.memory_space<vmem>> -> memref<128xi32, #tpu.memory_space<vmem>>
        %dma_wait3A_438 = arith.constant 0 : i32
        %dma_wait3A_439 = arith.constant 0 : i32
        %dma_wait3A_440 = tpu.memref_slice %arg5[%dma_wait3A_438, %dma_wait3A_439] : memref<1000000x16xf32, #tpu.memory_space<hbm>> -> memref<1000000x16xf32, #tpu.memory_space<hbm>>
        tpu.wait_indirect_dma semaphore(%arg60 : memref<!tpu.dma_semaphore, #tpu.memory_space<semaphore_mem>>) src(%dma_wait3A_440 : memref<1000000x16xf32, #tpu.memory_space<hbm>>) dst(%dma_wait3A_435 : memref<128x16xf32, #tpu.memory_space<vmem>>)
        %scan3A_441 = arith.constant 0 : i32
        scf.yield %scan3A_441 : i32
      }
      %scan3A_258 = arith.constant 20 : i32
      %dma_start3A_259 = arith.constant 0 : i32
      %dma_start3A_260 = tpu.memref_slice %arg29[%add3A_229, %dma_start3A_259] : memref<819200x48xf32, #tpu.memory_space<hbm>> -> memref<2560x16xf32, #tpu.memory_space<hbm>>
      %dma_start3A_261 = arith.constant 0 : i32
      %dma_start3A_262 = tpu.memref_slice %arg29[%add3A_229, %dma_start3A_261] : memref<819200x48xf32, #tpu.memory_space<hbm>> -> memref<2560x16xf32, #tpu.memory_space<hbm>>
      tpu.enqueue_dma source(%arg36 : memref<2560x16xf32, #tpu.memory_space<vmem>>) target(%dma_start3A_262 : memref<2560x16xf32, #tpu.memory_space<hbm>>) target_semaphore(%arg61 : memref<!tpu.dma_semaphore, #tpu.memory_space<semaphore_mem>>)
      %dma_wait3A_263 = arith.constant 0 : i32
      %dma_wait3A_264 = tpu.memref_slice %arg2[%dma_wait3A_263] : memref<819200xi32, #tpu.memory_space<hbm>> -> memref<2560xi32, #tpu.memory_space<hbm>>
      %dma_wait3A_265 = arith.constant 0 : i32
      %dma_wait3A_266 = tpu.memref_slice %arg2[%dma_wait3A_265] : memref<819200xi32, #tpu.memory_space<hbm>> -> memref<2560xi32, #tpu.memory_space<hbm>>
      tpu.wait_dma2 semaphore(%arg65 : memref<!tpu.dma_semaphore, #tpu.memory_space<semaphore_mem>>) src(%dma_wait3A_266 : memref<2560xi32, #tpu.memory_space<hbm>>) dst(%arg33 : memref<2560xi32, #tpu.memory_space<vmem>>)
      %gt3A_267 = arith.constant 0 : i32
      %gt3A_268 = arith.cmpi sgt, %scan3A_221, %gt3A_267 : i32
      %convert_element_type3A_269 = arith.extui %gt3A_268 : i1 to i32
      %cond3A_270 = arith.constant 0 : i32
      %cond3A_271 = arith.cmpi ne, %convert_element_type3A_269, %cond3A_270 : i32
      scf.if %cond3A_271 {
        %dma_wait3A_431 = arith.constant 0 : i32
        %dma_wait3A_432 = arith.constant 0 : i32
        %dma_wait3A_433 = tpu.memref_slice %arg29[%dma_wait3A_431, %dma_wait3A_432] : memref<819200x48xf32, #tpu.memory_space<hbm>> -> memref<2560x16xf32, #tpu.memory_space<hbm>>
        %dma_wait3A_434 = arith.constant 0 : i32
        %dma_wait3A_435 = arith.constant 0 : i32
        %dma_wait3A_436 = tpu.memref_slice %arg29[%dma_wait3A_434, %dma_wait3A_435] : memref<819200x48xf32, #tpu.memory_space<hbm>> -> memref<2560x16xf32, #tpu.memory_space<hbm>>
        tpu.wait_dma2 semaphore(%arg62 : memref<!tpu.dma_semaphore, #tpu.memory_space<semaphore_mem>>) src(%arg37 : memref<2560x16xf32, #tpu.memory_space<vmem>>) dst(%dma_wait3A_436 : memref<2560x16xf32, #tpu.memory_space<hbm>>)
      } else {
      }
      %scan3A_272 = arith.constant 0 : i32
      %scan3A_273 = arith.constant 0 : i32
      %scan3A_274 = arith.constant 20 : i32
      %scan3A_275 = arith.addi %scan3A_273, %scan3A_274 : i32
      %scan3A_276 = arith.constant 1 : i32
      %scan3A_277 = scf.for %scan3A_431 = %scan3A_273 to %scan3A_275 step %scan3A_276 iter_args(%scan3A_432 = %scan3A_272) -> (i32)  : i32 {
        %mul3A_433 = arith.constant 128 : i32
        %mul3A_434 = arith.muli %scan3A_431, %mul3A_433 : i32
        %mul3A_435 = arith.constant 128 : i32
        %mul3A_436 = arith.muli %scan3A_431, %mul3A_435 : i32
        %dma_start3A_437 = arith.constant 0 : i32
        %dma_start3A_438 = tpu.memref_slice %arg37[%mul3A_436, %dma_start3A_437] : memref<2560x16xf32, #tpu.memory_space<vmem>> -> memref<128x16xf32, #tpu.memory_space<vmem>>
        %dma_start3A_439 = tpu.memref_slice %arg33[%mul3A_434] : memref<2560xi32, #tpu.memory_space<vmem>> -> memref<128xi32, #tpu.memory_space<vmem>>
        %dma_start3A_440 = arith.constant 0 : i32
        %dma_start3A_441 = arith.constant 0 : i32
        %dma_start3A_442 = tpu.memref_slice %arg6[%dma_start3A_440, %dma_start3A_441] : memref<1000000x16xf32, #tpu.memory_space<hbm>> -> memref<1000000x16xf32, #tpu.memory_space<hbm>>
        tpu.enqueue_indirect_dma source(%dma_start3A_442 : memref<1000000x16xf32, #tpu.memory_space<hbm>>) target(%dma_start3A_438 : memref<128x16xf32, #tpu.memory_space<vmem>>) offsets(%dma_start3A_439 : memref<128xi32, #tpu.memory_space<vmem>>) semaphore(%arg60 : memref<!tpu.dma_semaphore, #tpu.memory_space<semaphore_mem>>)
        %scan3A_443 = arith.constant 0 : i32
        scf.yield %scan3A_443 : i32
      }
      %scan3A_278 = arith.constant 20 : i32
      %dma_start3A_279 = tpu.memref_slice %arg4[%add3A_229] : memref<819200xi32, #tpu.memory_space<hbm>> -> memref<2560xi32, #tpu.memory_space<hbm>>
      %dma_start3A_280 = tpu.memref_slice %arg4[%add3A_229] : memref<819200xi32, #tpu.memory_space<hbm>> -> memref<2560xi32, #tpu.memory_space<hbm>>
      tpu.enqueue_dma source(%dma_start3A_280 : memref<2560xi32, #tpu.memory_space<hbm>>) target(%arg32 : memref<2560xi32, #tpu.memory_space<vmem>>) target_semaphore(%arg64 : memref<!tpu.dma_semaphore, #tpu.memory_space<semaphore_mem>>)
      %scan3A_281 = arith.constant 0 : i32
      %scan3A_282 = arith.constant 0 : i32
      %scan3A_283 = arith.constant 20 : i32
      %scan3A_284 = arith.addi %scan3A_282, %scan3A_283 : i32
      %scan3A_285 = arith.constant 1 : i32
      %scan3A_286 = scf.for %scan3A_431 = %scan3A_282 to %scan3A_284 step %scan3A_285 iter_args(%scan3A_432 = %scan3A_281) -> (i32)  : i32 {
        %dma_wait3A_433 = arith.constant 0 : i32
        %dma_wait3A_434 = arith.constant 0 : i32
        %dma_wait3A_435 = tpu.memref_slice %arg36[%dma_wait3A_433, %dma_wait3A_434] : memref<2560x16xf32, #tpu.memory_space<vmem>> -> memref<128x16xf32, #tpu.memory_space<vmem>>
        %dma_wait3A_436 = arith.constant 0 : i32
        %dma_wait3A_437 = tpu.memref_slice %arg32[%dma_wait3A_436] : memref<2560xi32, #tpu.memory_space<vmem>> -> memref<128xi32, #tpu.memory_space<vmem>>
        %dma_wait3A_438 = arith.constant 0 : i32
        %dma_wait3A_439 = arith.constant 0 : i32
        %dma_wait3A_440 = tpu.memref_slice %arg5[%dma_wait3A_438, %dma_wait3A_439] : memref<1000000x16xf32, #tpu.memory_space<hbm>> -> memref<1000000x16xf32, #tpu.memory_space<hbm>>
        tpu.wait_indirect_dma semaphore(%arg60 : memref<!tpu.dma_semaphore, #tpu.memory_space<semaphore_mem>>) src(%dma_wait3A_440 : memref<1000000x16xf32, #tpu.memory_space<hbm>>) dst(%dma_wait3A_435 : memref<128x16xf32, #tpu.memory_space<vmem>>)
        %scan3A_441 = arith.constant 0 : i32
        scf.yield %scan3A_441 : i32
      }
      %scan3A_287 = arith.constant 20 : i32
      %dma_start3A_288 = arith.constant 16 : i32
      %dma_start3A_289 = tpu.memref_slice %arg29[%add3A_229, %dma_start3A_288] : memref<819200x48xf32, #tpu.memory_space<hbm>> -> memref<2560x16xf32, #tpu.memory_space<hbm>>
      %dma_start3A_290 = arith.constant 16 : i32
      %dma_start3A_291 = tpu.memref_slice %arg29[%add3A_229, %dma_start3A_290] : memref<819200x48xf32, #tpu.memory_space<hbm>> -> memref<2560x16xf32, #tpu.memory_space<hbm>>
      tpu.enqueue_dma source(%arg37 : memref<2560x16xf32, #tpu.memory_space<vmem>>) target(%dma_start3A_291 : memref<2560x16xf32, #tpu.memory_space<hbm>>) target_semaphore(%arg62 : memref<!tpu.dma_semaphore, #tpu.memory_space<semaphore_mem>>)
      %dma_wait3A_292 = arith.constant 0 : i32
      %dma_wait3A_293 = tpu.memref_slice %arg2[%dma_wait3A_292] : memref<819200xi32, #tpu.memory_space<hbm>> -> memref<2560xi32, #tpu.memory_space<hbm>>
      %dma_wait3A_294 = arith.constant 0 : i32
      %dma_wait3A_295 = tpu.memref_slice %arg2[%dma_wait3A_294] : memref<819200xi32, #tpu.memory_space<hbm>> -> memref<2560xi32, #tpu.memory_space<hbm>>
      tpu.wait_dma2 semaphore(%arg64 : memref<!tpu.dma_semaphore, #tpu.memory_space<semaphore_mem>>) src(%dma_wait3A_295 : memref<2560xi32, #tpu.memory_space<hbm>>) dst(%arg32 : memref<2560xi32, #tpu.memory_space<vmem>>)
      %dma_wait3A_296 = arith.constant 0 : i32
      %dma_wait3A_297 = arith.constant 0 : i32
      %dma_wait3A_298 = tpu.memref_slice %arg29[%dma_wait3A_296, %dma_wait3A_297] : memref<819200x48xf32, #tpu.memory_space<hbm>> -> memref<2560x16xf32, #tpu.memory_space<hbm>>
      %dma_wait3A_299 = arith.constant 0 : i32
      %dma_wait3A_300 = arith.constant 0 : i32
      %dma_wait3A_301 = tpu.memref_slice %arg29[%dma_wait3A_299, %dma_wait3A_300] : memref<819200x48xf32, #tpu.memory_space<hbm>> -> memref<2560x16xf32, #tpu.memory_space<hbm>>
      tpu.wait_dma2 semaphore(%arg61 : memref<!tpu.dma_semaphore, #tpu.memory_space<semaphore_mem>>) src(%arg36 : memref<2560x16xf32, #tpu.memory_space<vmem>>) dst(%dma_wait3A_301 : memref<2560x16xf32, #tpu.memory_space<hbm>>)
      %scan3A_302 = arith.constant 0 : i32
      %scan3A_303 = arith.constant 0 : i32
      %scan3A_304 = arith.constant 20 : i32
      %scan3A_305 = arith.addi %scan3A_303, %scan3A_304 : i32
      %scan3A_306 = arith.constant 1 : i32
      %scan3A_307 = scf.for %scan3A_431 = %scan3A_303 to %scan3A_305 step %scan3A_306 iter_args(%scan3A_432 = %scan3A_302) -> (i32)  : i32 {
        %mul3A_433 = arith.constant 128 : i32
        %mul3A_434 = arith.muli %scan3A_431, %mul3A_433 : i32
        %mul3A_435 = arith.constant 128 : i32
        %mul3A_436 = arith.muli %scan3A_431, %mul3A_435 : i32
        %dma_start3A_437 = arith.constant 0 : i32
        %dma_start3A_438 = tpu.memref_slice %arg36[%mul3A_436, %dma_start3A_437] : memref<2560x16xf32, #tpu.memory_space<vmem>> -> memref<128x16xf32, #tpu.memory_space<vmem>>
        %dma_start3A_439 = tpu.memref_slice %arg32[%mul3A_434] : memref<2560xi32, #tpu.memory_space<vmem>> -> memref<128xi32, #tpu.memory_space<vmem>>
        %dma_start3A_440 = arith.constant 0 : i32
        %dma_start3A_441 = arith.constant 0 : i32
        %dma_start3A_442 = tpu.memref_slice %arg7[%dma_start3A_440, %dma_start3A_441] : memref<1000000x16xf32, #tpu.memory_space<hbm>> -> memref<1000000x16xf32, #tpu.memory_space<hbm>>
        tpu.enqueue_indirect_dma source(%dma_start3A_442 : memref<1000000x16xf32, #tpu.memory_space<hbm>>) target(%dma_start3A_438 : memref<128x16xf32, #tpu.memory_space<vmem>>) offsets(%dma_start3A_439 : memref<128xi32, #tpu.memory_space<vmem>>) semaphore(%arg60 : memref<!tpu.dma_semaphore, #tpu.memory_space<semaphore_mem>>)
        %scan3A_443 = arith.constant 0 : i32
        scf.yield %scan3A_443 : i32
      }
      %scan3A_308 = arith.constant 20 : i32
      %add3A_309 = arith.constant 2560 : i32
      %add3A_310 = arith.addi %add3A_229, %add3A_309 : i32
      %dma_start3A_311 = tpu.memref_slice %arg2[%add3A_310] : memref<819200xi32, #tpu.memory_space<hbm>> -> memref<2560xi32, #tpu.memory_space<hbm>>
      %dma_start3A_312 = tpu.memref_slice %arg2[%add3A_310] : memref<819200xi32, #tpu.memory_space<hbm>> -> memref<2560xi32, #tpu.memory_space<hbm>>
      tpu.enqueue_dma source(%dma_start3A_312 : memref<2560xi32, #tpu.memory_space<hbm>>) target(%arg33 : memref<2560xi32, #tpu.memory_space<vmem>>) target_semaphore(%arg65 : memref<!tpu.dma_semaphore, #tpu.memory_space<semaphore_mem>>)
      %scan3A_313 = arith.constant 0 : i32
      %scan3A_314 = arith.constant 0 : i32
      %scan3A_315 = arith.constant 20 : i32
      %scan3A_316 = arith.addi %scan3A_314, %scan3A_315 : i32
      %scan3A_317 = arith.constant 1 : i32
      %scan3A_318 = scf.for %scan3A_431 = %scan3A_314 to %scan3A_316 step %scan3A_317 iter_args(%scan3A_432 = %scan3A_313) -> (i32)  : i32 {
        %dma_wait3A_433 = arith.constant 0 : i32
        %dma_wait3A_434 = arith.constant 0 : i32
        %dma_wait3A_435 = tpu.memref_slice %arg36[%dma_wait3A_433, %dma_wait3A_434] : memref<2560x16xf32, #tpu.memory_space<vmem>> -> memref<128x16xf32, #tpu.memory_space<vmem>>
        %dma_wait3A_436 = arith.constant 0 : i32
        %dma_wait3A_437 = tpu.memref_slice %arg32[%dma_wait3A_436] : memref<2560xi32, #tpu.memory_space<vmem>> -> memref<128xi32, #tpu.memory_space<vmem>>
        %dma_wait3A_438 = arith.constant 0 : i32
        %dma_wait3A_439 = arith.constant 0 : i32
        %dma_wait3A_440 = tpu.memref_slice %arg5[%dma_wait3A_438, %dma_wait3A_439] : memref<1000000x16xf32, #tpu.memory_space<hbm>> -> memref<1000000x16xf32, #tpu.memory_space<hbm>>
        tpu.wait_indirect_dma semaphore(%arg60 : memref<!tpu.dma_semaphore, #tpu.memory_space<semaphore_mem>>) src(%dma_wait3A_440 : memref<1000000x16xf32, #tpu.memory_space<hbm>>) dst(%dma_wait3A_435 : memref<128x16xf32, #tpu.memory_space<vmem>>)
        %scan3A_441 = arith.constant 0 : i32
        scf.yield %scan3A_441 : i32
      }
      %scan3A_319 = arith.constant 20 : i32
      %dma_start3A_320 = arith.constant 32 : i32
      %dma_start3A_321 = tpu.memref_slice %arg29[%add3A_229, %dma_start3A_320] : memref<819200x48xf32, #tpu.memory_space<hbm>> -> memref<2560x16xf32, #tpu.memory_space<hbm>>
      %dma_start3A_322 = arith.constant 32 : i32
      %dma_start3A_323 = tpu.memref_slice %arg29[%add3A_229, %dma_start3A_322] : memref<819200x48xf32, #tpu.memory_space<hbm>> -> memref<2560x16xf32, #tpu.memory_space<hbm>>
      tpu.enqueue_dma source(%arg36 : memref<2560x16xf32, #tpu.memory_space<vmem>>) target(%dma_start3A_323 : memref<2560x16xf32, #tpu.memory_space<hbm>>) target_semaphore(%arg61 : memref<!tpu.dma_semaphore, #tpu.memory_space<semaphore_mem>>)
      %mul3A_324 = arith.constant 2 : i32
      %mul3A_325 = arith.muli %mul3A_324, %scan3A_221 : i32
      %add3A_326 = arith.constant 1 : i32
      %add3A_327 = arith.addi %mul3A_325, %add3A_326 : i32
      %mul3A_328 = arith.constant 2560 : i32
      %mul3A_329 = arith.muli %add3A_327, %mul3A_328 : i32
      %add3A_330 = arith.addi %mul3A_2, %mul3A_329 : i32
      %dma_wait3A_331 = arith.constant 0 : i32
      %dma_wait3A_332 = tpu.memref_slice %arg2[%dma_wait3A_331] : memref<819200xi32, #tpu.memory_space<hbm>> -> memref<2560xi32, #tpu.memory_space<hbm>>
      %dma_wait3A_333 = arith.constant 0 : i32
      %dma_wait3A_334 = tpu.memref_slice %arg2[%dma_wait3A_333] : memref<819200xi32, #tpu.memory_space<hbm>> -> memref<2560xi32, #tpu.memory_space<hbm>>
      tpu.wait_dma2 semaphore(%arg65 : memref<!tpu.dma_semaphore, #tpu.memory_space<semaphore_mem>>) src(%dma_wait3A_334 : memref<2560xi32, #tpu.memory_space<hbm>>) dst(%arg33 : memref<2560xi32, #tpu.memory_space<vmem>>)
      %dma_wait3A_335 = arith.constant 0 : i32
      %dma_wait3A_336 = arith.constant 0 : i32
      %dma_wait3A_337 = tpu.memref_slice %arg29[%dma_wait3A_335, %dma_wait3A_336] : memref<819200x48xf32, #tpu.memory_space<hbm>> -> memref<2560x16xf32, #tpu.memory_space<hbm>>
      %dma_wait3A_338 = arith.constant 0 : i32
      %dma_wait3A_339 = arith.constant 0 : i32
      %dma_wait3A_340 = tpu.memref_slice %arg29[%dma_wait3A_338, %dma_wait3A_339] : memref<819200x48xf32, #tpu.memory_space<hbm>> -> memref<2560x16xf32, #tpu.memory_space<hbm>>
      tpu.wait_dma2 semaphore(%arg62 : memref<!tpu.dma_semaphore, #tpu.memory_space<semaphore_mem>>) src(%arg37 : memref<2560x16xf32, #tpu.memory_space<vmem>>) dst(%dma_wait3A_340 : memref<2560x16xf32, #tpu.memory_space<hbm>>)
      %scan3A_341 = arith.constant 0 : i32
      %scan3A_342 = arith.constant 0 : i32
      %scan3A_343 = arith.constant 20 : i32
      %scan3A_344 = arith.addi %scan3A_342, %scan3A_343 : i32
      %scan3A_345 = arith.constant 1 : i32
      %scan3A_346 = scf.for %scan3A_431 = %scan3A_342 to %scan3A_344 step %scan3A_345 iter_args(%scan3A_432 = %scan3A_341) -> (i32)  : i32 {
        %mul3A_433 = arith.constant 128 : i32
        %mul3A_434 = arith.muli %scan3A_431, %mul3A_433 : i32
        %mul3A_435 = arith.constant 128 : i32
        %mul3A_436 = arith.muli %scan3A_431, %mul3A_435 : i32
        %dma_start3A_437 = arith.constant 0 : i32
        %dma_start3A_438 = tpu.memref_slice %arg37[%mul3A_436, %dma_start3A_437] : memref<2560x16xf32, #tpu.memory_space<vmem>> -> memref<128x16xf32, #tpu.memory_space<vmem>>
        %dma_start3A_439 = tpu.memref_slice %arg33[%mul3A_434] : memref<2560xi32, #tpu.memory_space<vmem>> -> memref<128xi32, #tpu.memory_space<vmem>>
        %dma_start3A_440 = arith.constant 0 : i32
        %dma_start3A_441 = arith.constant 0 : i32
        %dma_start3A_442 = tpu.memref_slice %arg5[%dma_start3A_440, %dma_start3A_441] : memref<1000000x16xf32, #tpu.memory_space<hbm>> -> memref<1000000x16xf32, #tpu.memory_space<hbm>>
        tpu.enqueue_indirect_dma source(%dma_start3A_442 : memref<1000000x16xf32, #tpu.memory_space<hbm>>) target(%dma_start3A_438 : memref<128x16xf32, #tpu.memory_space<vmem>>) offsets(%dma_start3A_439 : memref<128xi32, #tpu.memory_space<vmem>>) semaphore(%arg60 : memref<!tpu.dma_semaphore, #tpu.memory_space<semaphore_mem>>)
        %scan3A_443 = arith.constant 0 : i32
        scf.yield %scan3A_443 : i32
      }
      %scan3A_347 = arith.constant 20 : i32
      %dma_start3A_348 = tpu.memref_slice %arg3[%add3A_330] : memref<819200xi32, #tpu.memory_space<hbm>> -> memref<2560xi32, #tpu.memory_space<hbm>>
      %dma_start3A_349 = tpu.memref_slice %arg3[%add3A_330] : memref<819200xi32, #tpu.memory_space<hbm>> -> memref<2560xi32, #tpu.memory_space<hbm>>
      tpu.enqueue_dma source(%dma_start3A_349 : memref<2560xi32, #tpu.memory_space<hbm>>) target(%arg32 : memref<2560xi32, #tpu.memory_space<vmem>>) target_semaphore(%arg64 : memref<!tpu.dma_semaphore, #tpu.memory_space<semaphore_mem>>)
      %scan3A_350 = arith.constant 0 : i32
      %scan3A_351 = arith.constant 0 : i32
      %scan3A_352 = arith.constant 160 : i32
      %scan3A_353 = arith.addi %scan3A_351, %scan3A_352 : i32
      %scan3A_354 = arith.constant 1 : i32
      %scan3A_355 = scf.for %scan3A_431 = %scan3A_351 to %scan3A_353 step %scan3A_354 iter_args(%scan3A_432 = %scan3A_350) -> (i32)  : i32 {
        %mul3A_433 = arith.constant 16 : i32
        %mul3A_434 = arith.muli %scan3A_431, %mul3A_433 : i32
        %get3A = arith.index_cast %mul3A_434 : i32 to index
        %get3A_435 = tpu.vector_load %arg33[%get3A] {strides = array<i32>} : memref<2560xi32, #tpu.memory_space<vmem>>, vector<16xi32>,
        %ne3A = arith.constant 0 : i32
        %ne3A_436 = vector.broadcast %ne3A : i32 to vector<16xi32>
        %ne3A_437 = arith.cmpi ne, %get3A_435, %ne3A_436 : vector<16xi32>
        %jit3A = arith.constant 1 : i32
        %jit3A_438 = arith.constant 0 : i32
        %broadcast_in_dim3A = vector.broadcast %jit3A : i32 to vector<16xi32>
        %broadcast_in_dim3A_439 = vector.broadcast %jit3A_438 : i32 to vector<16xi32>
        %select_n3A = arith.select %ne3A_437, %broadcast_in_dim3A, %broadcast_in_dim3A_439 : vector<16xi1>, vector<16xi32>
        %mul3A_440 = arith.constant 16 : i32
        %mul3A_441 = arith.muli %scan3A_431, %mul3A_440 : i32
        %swap3A = arith.index_cast %mul3A_441 : i32 to index
        %swap3A_442 = tpu.vector_load %arg35[%swap3A] {strides = array<i32>} : memref<2560xi32, #tpu.memory_space<vmem>>, vector<16xi32>,
        tpu.vector_store %arg35[%swap3A], %select_n3A {strides = array<i32>} : memref<2560xi32, #tpu.memory_space<vmem>>, vector<16xi32>,
        %scan3A_443 = arith.constant 0 : i32
        scf.yield %scan3A_443 : i32
      }
      %scan3A_356 = arith.constant 160 : i32
      "tpu.region"() ({
        %run_scoped3A = tpu.sem_alloc : memref<!tpu.dma_semaphore, #tpu.memory_space<semaphore_mem>>
        %dma_start3A_431 = tpu.memref_slice %arg27[%add3A_330] : memref<819200xi32, #tpu.memory_space<hbm>> -> memref<2560xi32, #tpu.memory_space<hbm>>
        %dma_start3A_432 = tpu.memref_slice %arg27[%add3A_330] : memref<819200xi32, #tpu.memory_space<hbm>> -> memref<2560xi32, #tpu.memory_space<hbm>>
        tpu.enqueue_dma source(%arg35 : memref<2560xi32, #tpu.memory_space<vmem>>) target(%dma_start3A_432 : memref<2560xi32, #tpu.memory_space<hbm>>) target_semaphore(%run_scoped3A : memref<!tpu.dma_semaphore, #tpu.memory_space<semaphore_mem>>)
        %dma_wait3A_433 = tpu.memref_slice %arg27[%add3A_330] : memref<819200xi32, #tpu.memory_space<hbm>> -> memref<2560xi32, #tpu.memory_space<hbm>>
        %dma_wait3A_434 = tpu.memref_slice %arg27[%add3A_330] : memref<819200xi32, #tpu.memory_space<hbm>> -> memref<2560xi32, #tpu.memory_space<hbm>>
        tpu.wait_dma2 semaphore(%run_scoped3A : memref<!tpu.dma_semaphore, #tpu.memory_space<semaphore_mem>>) src(%arg35 : memref<2560xi32, #tpu.memory_space<vmem>>) dst(%dma_wait3A_434 : memref<2560xi32, #tpu.memory_space<hbm>>)
        tpu.yield
      }) : () -> ()
      %scan3A_357 = arith.constant 0 : i32
      %scan3A_358 = arith.constant 0 : i32
      %scan3A_359 = arith.constant 20 : i32
      %scan3A_360 = arith.addi %scan3A_358, %scan3A_359 : i32
      %scan3A_361 = arith.constant 1 : i32
      %scan3A_362 = scf.for %scan3A_431 = %scan3A_358 to %scan3A_360 step %scan3A_361 iter_args(%scan3A_432 = %scan3A_357) -> (i32)  : i32 {
        %dma_wait3A_433 = arith.constant 0 : i32
        %dma_wait3A_434 = arith.constant 0 : i32
        %dma_wait3A_435 = tpu.memref_slice %arg36[%dma_wait3A_433, %dma_wait3A_434] : memref<2560x16xf32, #tpu.memory_space<vmem>> -> memref<128x16xf32, #tpu.memory_space<vmem>>
        %dma_wait3A_436 = arith.constant 0 : i32
        %dma_wait3A_437 = tpu.memref_slice %arg32[%dma_wait3A_436] : memref<2560xi32, #tpu.memory_space<vmem>> -> memref<128xi32, #tpu.memory_space<vmem>>
        %dma_wait3A_438 = arith.constant 0 : i32
        %dma_wait3A_439 = arith.constant 0 : i32
        %dma_wait3A_440 = tpu.memref_slice %arg5[%dma_wait3A_438, %dma_wait3A_439] : memref<1000000x16xf32, #tpu.memory_space<hbm>> -> memref<1000000x16xf32, #tpu.memory_space<hbm>>
        tpu.wait_indirect_dma semaphore(%arg60 : memref<!tpu.dma_semaphore, #tpu.memory_space<semaphore_mem>>) src(%dma_wait3A_440 : memref<1000000x16xf32, #tpu.memory_space<hbm>>) dst(%dma_wait3A_435 : memref<128x16xf32, #tpu.memory_space<vmem>>)
        %scan3A_441 = arith.constant 0 : i32
        scf.yield %scan3A_441 : i32
      }
      %scan3A_363 = arith.constant 20 : i32
      %dma_start3A_364 = arith.constant 0 : i32
      %dma_start3A_365 = tpu.memref_slice %arg29[%add3A_330, %dma_start3A_364] : memref<819200x48xf32, #tpu.memory_space<hbm>> -> memref<2560x16xf32, #tpu.memory_space<hbm>>
      %dma_start3A_366 = arith.constant 0 : i32
      %dma_start3A_367 = tpu.memref_slice %arg29[%add3A_330, %dma_start3A_366] : memref<819200x48xf32, #tpu.memory_space<hbm>> -> memref<2560x16xf32, #tpu.memory_space<hbm>>
      tpu.enqueue_dma source(%arg37 : memref<2560x16xf32, #tpu.memory_space<vmem>>) target(%dma_start3A_367 : memref<2560x16xf32, #tpu.memory_space<hbm>>) target_semaphore(%arg62 : memref<!tpu.dma_semaphore, #tpu.memory_space<semaphore_mem>>)
      %dma_wait3A_368 = arith.constant 0 : i32
      %dma_wait3A_369 = tpu.memref_slice %arg2[%dma_wait3A_368] : memref<819200xi32, #tpu.memory_space<hbm>> -> memref<2560xi32, #tpu.memory_space<hbm>>
      %dma_wait3A_370 = arith.constant 0 : i32
      %dma_wait3A_371 = tpu.memref_slice %arg2[%dma_wait3A_370] : memref<819200xi32, #tpu.memory_space<hbm>> -> memref<2560xi32, #tpu.memory_space<hbm>>
      tpu.wait_dma2 semaphore(%arg64 : memref<!tpu.dma_semaphore, #tpu.memory_space<semaphore_mem>>) src(%dma_wait3A_371 : memref<2560xi32, #tpu.memory_space<hbm>>) dst(%arg32 : memref<2560xi32, #tpu.memory_space<vmem>>)
      %dma_wait3A_372 = arith.constant 0 : i32
      %dma_wait3A_373 = arith.constant 0 : i32
      %dma_wait3A_374 = tpu.memref_slice %arg29[%dma_wait3A_372, %dma_wait3A_373] : memref<819200x48xf32, #tpu.memory_space<hbm>> -> memref<2560x16xf32, #tpu.memory_space<hbm>>
      %dma_wait3A_375 = arith.constant 0 : i32
      %dma_wait3A_376 = arith.constant 0 : i32
      %dma_wait3A_377 = tpu.memref_slice %arg29[%dma_wait3A_375, %dma_wait3A_376] : memref<819200x48xf32, #tpu.memory_space<hbm>> -> memref<2560x16xf32, #tpu.memory_space<hbm>>
      tpu.wait_dma2 semaphore(%arg61 : memref<!tpu.dma_semaphore, #tpu.memory_space<semaphore_mem>>) src(%arg36 : memref<2560x16xf32, #tpu.memory_space<vmem>>) dst(%dma_wait3A_377 : memref<2560x16xf32, #tpu.memory_space<hbm>>)
      %scan3A_378 = arith.constant 0 : i32
      %scan3A_379 = arith.constant 0 : i32
      %scan3A_380 = arith.constant 20 : i32
      %scan3A_381 = arith.addi %scan3A_379, %scan3A_380 : i32
      %scan3A_382 = arith.constant 1 : i32
      %scan3A_383 = scf.for %scan3A_431 = %scan3A_379 to %scan3A_381 step %scan3A_382 iter_args(%scan3A_432 = %scan3A_378) -> (i32)  : i32 {
        %mul3A_433 = arith.constant 128 : i32
        %mul3A_434 = arith.muli %scan3A_431, %mul3A_433 : i32
        %mul3A_435 = arith.constant 128 : i32
        %mul3A_436 = arith.muli %scan3A_431, %mul3A_435 : i32
        %dma_start3A_437 = arith.constant 0 : i32
        %dma_start3A_438 = tpu.memref_slice %arg36[%mul3A_436, %dma_start3A_437] : memref<2560x16xf32, #tpu.memory_space<vmem>> -> memref<128x16xf32, #tpu.memory_space<vmem>>
        %dma_start3A_439 = tpu.memref_slice %arg32[%mul3A_434] : memref<2560xi32, #tpu.memory_space<vmem>> -> memref<128xi32, #tpu.memory_space<vmem>>
        %dma_start3A_440 = arith.constant 0 : i32
        %dma_start3A_441 = arith.constant 0 : i32
        %dma_start3A_442 = tpu.memref_slice %arg6[%dma_start3A_440, %dma_start3A_441] : memref<1000000x16xf32, #tpu.memory_space<hbm>> -> memref<1000000x16xf32, #tpu.memory_space<hbm>>
        tpu.enqueue_indirect_dma source(%dma_start3A_442 : memref<1000000x16xf32, #tpu.memory_space<hbm>>) target(%dma_start3A_438 : memref<128x16xf32, #tpu.memory_space<vmem>>) offsets(%dma_start3A_439 : memref<128xi32, #tpu.memory_space<vmem>>) semaphore(%arg60 : memref<!tpu.dma_semaphore, #tpu.memory_space<semaphore_mem>>)
        %scan3A_443 = arith.constant 0 : i32
        scf.yield %scan3A_443 : i32
      }
      %scan3A_384 = arith.constant 20 : i32
      %dma_start3A_385 = tpu.memref_slice %arg4[%add3A_330] : memref<819200xi32, #tpu.memory_space<hbm>> -> memref<2560xi32, #tpu.memory_space<hbm>>
      %dma_start3A_386 = tpu.memref_slice %arg4[%add3A_330] : memref<819200xi32, #tpu.memory_space<hbm>> -> memref<2560xi32, #tpu.memory_space<hbm>>
      tpu.enqueue_dma source(%dma_start3A_386 : memref<2560xi32, #tpu.memory_space<hbm>>) target(%arg33 : memref<2560xi32, #tpu.memory_space<vmem>>) target_semaphore(%arg65 : memref<!tpu.dma_semaphore, #tpu.memory_space<semaphore_mem>>)
      %scan3A_387 = arith.constant 0 : i32
      %scan3A_388 = arith.constant 0 : i32
      %scan3A_389 = arith.constant 20 : i32
      %scan3A_390 = arith.addi %scan3A_388, %scan3A_389 : i32
      %scan3A_391 = arith.constant 1 : i32
      %scan3A_392 = scf.for %scan3A_431 = %scan3A_388 to %scan3A_390 step %scan3A_391 iter_args(%scan3A_432 = %scan3A_387) -> (i32)  : i32 {
        %dma_wait3A_433 = arith.constant 0 : i32
        %dma_wait3A_434 = arith.constant 0 : i32
        %dma_wait3A_435 = tpu.memref_slice %arg36[%dma_wait3A_433, %dma_wait3A_434] : memref<2560x16xf32, #tpu.memory_space<vmem>> -> memref<128x16xf32, #tpu.memory_space<vmem>>
        %dma_wait3A_436 = arith.constant 0 : i32
        %dma_wait3A_437 = tpu.memref_slice %arg32[%dma_wait3A_436] : memref<2560xi32, #tpu.memory_space<vmem>> -> memref<128xi32, #tpu.memory_space<vmem>>
        %dma_wait3A_438 = arith.constant 0 : i32
        %dma_wait3A_439 = arith.constant 0 : i32
        %dma_wait3A_440 = tpu.memref_slice %arg5[%dma_wait3A_438, %dma_wait3A_439] : memref<1000000x16xf32, #tpu.memory_space<hbm>> -> memref<1000000x16xf32, #tpu.memory_space<hbm>>
        tpu.wait_indirect_dma semaphore(%arg60 : memref<!tpu.dma_semaphore, #tpu.memory_space<semaphore_mem>>) src(%dma_wait3A_440 : memref<1000000x16xf32, #tpu.memory_space<hbm>>) dst(%dma_wait3A_435 : memref<128x16xf32, #tpu.memory_space<vmem>>)
        %scan3A_441 = arith.constant 0 : i32
        scf.yield %scan3A_441 : i32
      }
      %scan3A_393 = arith.constant 20 : i32
      %dma_start3A_394 = arith.constant 16 : i32
      %dma_start3A_395 = tpu.memref_slice %arg29[%add3A_330, %dma_start3A_394] : memref<819200x48xf32, #tpu.memory_space<hbm>> -> memref<2560x16xf32, #tpu.memory_space<hbm>>
      %dma_start3A_396 = arith.constant 16 : i32
      %dma_start3A_397 = tpu.memref_slice %arg29[%add3A_330, %dma_start3A_396] : memref<819200x48xf32, #tpu.memory_space<hbm>> -> memref<2560x16xf32, #tpu.memory_space<hbm>>
      tpu.enqueue_dma source(%arg36 : memref<2560x16xf32, #tpu.memory_space<vmem>>) target(%dma_start3A_397 : memref<2560x16xf32, #tpu.memory_space<hbm>>) target_semaphore(%arg61 : memref<!tpu.dma_semaphore, #tpu.memory_space<semaphore_mem>>)
      %dma_wait3A_398 = arith.constant 0 : i32
      %dma_wait3A_399 = tpu.memref_slice %arg2[%dma_wait3A_398] : memref<819200xi32, #tpu.memory_space<hbm>> -> memref<2560xi32, #tpu.memory_space<hbm>>
      %dma_wait3A_400 = arith.constant 0 : i32
      %dma_wait3A_401 = tpu.memref_slice %arg2[%dma_wait3A_400] : memref<819200xi32, #tpu.memory_space<hbm>> -> memref<2560xi32, #tpu.memory_space<hbm>>
      tpu.wait_dma2 semaphore(%arg65 : memref<!tpu.dma_semaphore, #tpu.memory_space<semaphore_mem>>) src(%dma_wait3A_401 : memref<2560xi32, #tpu.memory_space<hbm>>) dst(%arg33 : memref<2560xi32, #tpu.memory_space<vmem>>)
      %dma_wait3A_402 = arith.constant 0 : i32
      %dma_wait3A_403 = arith.constant 0 : i32
      %dma_wait3A_404 = tpu.memref_slice %arg29[%dma_wait3A_402, %dma_wait3A_403] : memref<819200x48xf32, #tpu.memory_space<hbm>> -> memref<2560x16xf32, #tpu.memory_space<hbm>>
      %dma_wait3A_405 = arith.constant 0 : i32
      %dma_wait3A_406 = arith.constant 0 : i32
      %dma_wait3A_407 = tpu.memref_slice %arg29[%dma_wait3A_405, %dma_wait3A_406] : memref<819200x48xf32, #tpu.memory_space<hbm>> -> memref<2560x16xf32, #tpu.memory_space<hbm>>
      tpu.wait_dma2 semaphore(%arg62 : memref<!tpu.dma_semaphore, #tpu.memory_space<semaphore_mem>>) src(%arg37 : memref<2560x16xf32, #tpu.memory_space<vmem>>) dst(%dma_wait3A_407 : memref<2560x16xf32, #tpu.memory_space<hbm>>)
      %scan3A_408 = arith.constant 0 : i32
      %scan3A_409 = arith.constant 0 : i32
      %scan3A_410 = arith.constant 20 : i32
      %scan3A_411 = arith.addi %scan3A_409, %scan3A_410 : i32
      %scan3A_412 = arith.constant 1 : i32
      %scan3A_413 = scf.for %scan3A_431 = %scan3A_409 to %scan3A_411 step %scan3A_412 iter_args(%scan3A_432 = %scan3A_408) -> (i32)  : i32 {
        %mul3A_433 = arith.constant 128 : i32
        %mul3A_434 = arith.muli %scan3A_431, %mul3A_433 : i32
        %mul3A_435 = arith.constant 128 : i32
        %mul3A_436 = arith.muli %scan3A_431, %mul3A_435 : i32
        %dma_start3A_437 = arith.constant 0 : i32
        %dma_start3A_438 = tpu.memref_slice %arg37[%mul3A_436, %dma_start3A_437] : memref<2560x16xf32, #tpu.memory_space<vmem>> -> memref<128x16xf32, #tpu.memory_space<vmem>>
        %dma_start3A_439 = tpu.memref_slice %arg33[%mul3A_434] : memref<2560xi32, #tpu.memory_space<vmem>> -> memref<128xi32, #tpu.memory_space<vmem>>
        %dma_start3A_440 = arith.constant 0 : i32
        %dma_start3A_441 = arith.constant 0 : i32
        %dma_start3A_442 = tpu.memref_slice %arg7[%dma_start3A_440, %dma_start3A_441] : memref<1000000x16xf32, #tpu.memory_space<hbm>> -> memref<1000000x16xf32, #tpu.memory_space<hbm>>
        tpu.enqueue_indirect_dma source(%dma_start3A_442 : memref<1000000x16xf32, #tpu.memory_space<hbm>>) target(%dma_start3A_438 : memref<128x16xf32, #tpu.memory_space<vmem>>) offsets(%dma_start3A_439 : memref<128xi32, #tpu.memory_space<vmem>>) semaphore(%arg60 : memref<!tpu.dma_semaphore, #tpu.memory_space<semaphore_mem>>)
        %scan3A_443 = arith.constant 0 : i32
        scf.yield %scan3A_443 : i32
      }
      %scan3A_414 = arith.constant 20 : i32
      %lt3A = arith.constant 4 : i32
      %lt3A_415 = arith.cmpi slt, %scan3A_221, %lt3A : i32
      %convert_element_type3A_416 = arith.extui %lt3A_415 : i1 to i32
      %cond3A_417 = arith.constant 0 : i32
      %cond3A_418 = arith.cmpi ne, %convert_element_type3A_416, %cond3A_417 : i32
      scf.if %cond3A_418 {
        %add3A_431 = arith.constant 2560 : i32
        %add3A_432 = arith.addi %add3A_330, %add3A_431 : i32
        %dma_start3A_433 = tpu.memref_slice %arg2[%add3A_432] : memref<819200xi32, #tpu.memory_space<hbm>> -> memref<2560xi32, #tpu.memory_space<hbm>>
        %dma_start3A_434 = tpu.memref_slice %arg2[%add3A_432] : memref<819200xi32, #tpu.memory_space<hbm>> -> memref<2560xi32, #tpu.memory_space<hbm>>
        tpu.enqueue_dma source(%dma_start3A_434 : memref<2560xi32, #tpu.memory_space<hbm>>) target(%arg32 : memref<2560xi32, #tpu.memory_space<vmem>>) target_semaphore(%arg64 : memref<!tpu.dma_semaphore, #tpu.memory_space<semaphore_mem>>)
      } else {
      }
      %scan3A_419 = arith.constant 0 : i32
      %scan3A_420 = arith.constant 0 : i32
      %scan3A_421 = arith.constant 20 : i32
      %scan3A_422 = arith.addi %scan3A_420, %scan3A_421 : i32
      %scan3A_423 = arith.constant 1 : i32
      %scan3A_424 = scf.for %scan3A_431 = %scan3A_420 to %scan3A_422 step %scan3A_423 iter_args(%scan3A_432 = %scan3A_419) -> (i32)  : i32 {
        %dma_wait3A_433 = arith.constant 0 : i32
        %dma_wait3A_434 = arith.constant 0 : i32
        %dma_wait3A_435 = tpu.memref_slice %arg36[%dma_wait3A_433, %dma_wait3A_434] : memref<2560x16xf32, #tpu.memory_space<vmem>> -> memref<128x16xf32, #tpu.memory_space<vmem>>
        %dma_wait3A_436 = arith.constant 0 : i32
        %dma_wait3A_437 = tpu.memref_slice %arg32[%dma_wait3A_436] : memref<2560xi32, #tpu.memory_space<vmem>> -> memref<128xi32, #tpu.memory_space<vmem>>
        %dma_wait3A_438 = arith.constant 0 : i32
        %dma_wait3A_439 = arith.constant 0 : i32
        %dma_wait3A_440 = tpu.memref_slice %arg5[%dma_wait3A_438, %dma_wait3A_439] : memref<1000000x16xf32, #tpu.memory_space<hbm>> -> memref<1000000x16xf32, #tpu.memory_space<hbm>>
        tpu.wait_indirect_dma semaphore(%arg60 : memref<!tpu.dma_semaphore, #tpu.memory_space<semaphore_mem>>) src(%dma_wait3A_440 : memref<1000000x16xf32, #tpu.memory_space<hbm>>) dst(%dma_wait3A_435 : memref<128x16xf32, #tpu.memory_space<vmem>>)
        %scan3A_441 = arith.constant 0 : i32
        scf.yield %scan3A_441 : i32
      }
      %scan3A_425 = arith.constant 20 : i32
      %dma_start3A_426 = arith.constant 32 : i32
      %dma_start3A_427 = tpu.memref_slice %arg29[%add3A_330, %dma_start3A_426] : memref<819200x48xf32, #tpu.memory_space<hbm>> -> memref<2560x16xf32, #tpu.memory_space<hbm>>
      %dma_start3A_428 = arith.constant 32 : i32
      %dma_start3A_429 = tpu.memref_slice %arg29[%add3A_330, %dma_start3A_428] : memref<819200x48xf32, #tpu.memory_space<hbm>> -> memref<2560x16xf32, #tpu.memory_space<hbm>>
      tpu.enqueue_dma source(%arg37 : memref<2560x16xf32, #tpu.memory_space<vmem>>) target(%dma_start3A_429 : memref<2560x16xf32, #tpu.memory_space<hbm>>) target_semaphore(%arg62 : memref<!tpu.dma_semaphore, #tpu.memory_space<semaphore_mem>>)
      %scan3A_430 = arith.constant 0 : i32
      scf.yield %scan3A_430 : i32
    }
    %scan3A_33 = arith.constant 5 : i32
    %dma_wait3A = arith.constant 0 : i32
    %dma_wait3A_34 = arith.constant 0 : i32
    %dma_wait3A_35 = tpu.memref_slice %arg29[%dma_wait3A, %dma_wait3A_34] : memref<819200x48xf32, #tpu.memory_space<hbm>> -> memref<2560x16xf32, #tpu.memory_space<hbm>>
    %dma_wait3A_36 = arith.constant 0 : i32
    %dma_wait3A_37 = arith.constant 0 : i32
    %dma_wait3A_38 = tpu.memref_slice %arg29[%dma_wait3A_36, %dma_wait3A_37] : memref<819200x48xf32, #tpu.memory_space<hbm>> -> memref<2560x16xf32, #tpu.memory_space<hbm>>
    tpu.wait_dma2 semaphore(%arg61 : memref<!tpu.dma_semaphore, #tpu.memory_space<semaphore_mem>>) src(%arg36 : memref<2560x16xf32, #tpu.memory_space<vmem>>) dst(%dma_wait3A_38 : memref<2560x16xf32, #tpu.memory_space<hbm>>)
    %dma_wait3A_39 = arith.constant 0 : i32
    %dma_wait3A_40 = arith.constant 0 : i32
    %dma_wait3A_41 = tpu.memref_slice %arg29[%dma_wait3A_39, %dma_wait3A_40] : memref<819200x48xf32, #tpu.memory_space<hbm>> -> memref<2560x16xf32, #tpu.memory_space<hbm>>
    %dma_wait3A_42 = arith.constant 0 : i32
    %dma_wait3A_43 = arith.constant 0 : i32
    %dma_wait3A_44 = tpu.memref_slice %arg29[%dma_wait3A_42, %dma_wait3A_43] : memref<819200x48xf32, #tpu.memory_space<hbm>> -> memref<2560x16xf32, #tpu.memory_space<hbm>>
    tpu.wait_dma2 semaphore(%arg62 : memref<!tpu.dma_semaphore, #tpu.memory_space<semaphore_mem>>) src(%arg37 : memref<2560x16xf32, #tpu.memory_space<vmem>>) dst(%dma_wait3A_44 : memref<2560x16xf32, #tpu.memory_space<hbm>>)
    %dma_wait3A_45 = tpu.memref_slice %arg8[%mul3A_4] : memref<4096xi32, #tpu.memory_space<hbm>> -> memref<128xi32, #tpu.memory_space<hbm>>
    %dma_wait3A_46 = tpu.memref_slice %arg8[%mul3A_4] : memref<4096xi32, #tpu.memory_space<hbm>> -> memref<128xi32, #tpu.memory_space<hbm>>
    tpu.wait_dma2 semaphore(%arg63 : memref<!tpu.dma_semaphore, #tpu.memory_space<semaphore_mem>>) src(%dma_wait3A_46 : memref<128xi32, #tpu.memory_space<hbm>>) dst(%arg38 : memref<128xi32, #tpu.memory_space<vmem>>)
    %dma_wait3A_47 = tpu.memref_slice %arg9[%mul3A_4] : memref<4096xi32, #tpu.memory_space<hbm>> -> memref<128xi32, #tpu.memory_space<hbm>>
    %dma_wait3A_48 = tpu.memref_slice %arg9[%mul3A_4] : memref<4096xi32, #tpu.memory_space<hbm>> -> memref<128xi32, #tpu.memory_space<hbm>>
    tpu.wait_dma2 semaphore(%arg63 : memref<!tpu.dma_semaphore, #tpu.memory_space<semaphore_mem>>) src(%dma_wait3A_48 : memref<128xi32, #tpu.memory_space<hbm>>) dst(%arg39 : memref<128xi32, #tpu.memory_space<vmem>>)
    %dma_wait3A_49 = tpu.memref_slice %arg10[%mul3A_4] : memref<4096xi32, #tpu.memory_space<hbm>> -> memref<128xi32, #tpu.memory_space<hbm>>
    %dma_wait3A_50 = tpu.memref_slice %arg10[%mul3A_4] : memref<4096xi32, #tpu.memory_space<hbm>> -> memref<128xi32, #tpu.memory_space<hbm>>
    tpu.wait_dma2 semaphore(%arg63 : memref<!tpu.dma_semaphore, #tpu.memory_space<semaphore_mem>>) src(%dma_wait3A_50 : memref<128xi32, #tpu.memory_space<hbm>>) dst(%arg40 : memref<128xi32, #tpu.memory_space<vmem>>)
    %dma_wait3A_51 = tpu.memref_slice %arg11[%mul3A_4] : memref<4096xi32, #tpu.memory_space<hbm>> -> memref<128xi32, #tpu.memory_space<hbm>>
    %dma_wait3A_52 = tpu.memref_slice %arg11[%mul3A_4] : memref<4096xi32, #tpu.memory_space<hbm>> -> memref<128xi32, #tpu.memory_space<hbm>>
    tpu.wait_dma2 semaphore(%arg63 : memref<!tpu.dma_semaphore, #tpu.memory_space<semaphore_mem>>) src(%dma_wait3A_52 : memref<128xi32, #tpu.memory_space<hbm>>) dst(%arg41 : memref<128xi32, #tpu.memory_space<vmem>>)
    %dma_wait3A_53 = tpu.memref_slice %arg12[%mul3A_4] : memref<4096xi32, #tpu.memory_space<hbm>> -> memref<128xi32, #tpu.memory_space<hbm>>
    %dma_wait3A_54 = tpu.memref_slice %arg12[%mul3A_4] : memref<4096xi32, #tpu.memory_space<hbm>> -> memref<128xi32, #tpu.memory_space<hbm>>
    tpu.wait_dma2 semaphore(%arg63 : memref<!tpu.dma_semaphore, #tpu.memory_space<semaphore_mem>>) src(%dma_wait3A_54 : memref<128xi32, #tpu.memory_space<hbm>>) dst(%arg42 : memref<128xi32, #tpu.memory_space<vmem>>)
    %dma_wait3A_55 = tpu.memref_slice %arg18[%mul3A_4] : memref<4096xi32, #tpu.memory_space<hbm>> -> memref<128xi32, #tpu.memory_space<hbm>>
    %dma_wait3A_56 = tpu.memref_slice %arg18[%mul3A_4] : memref<4096xi32, #tpu.memory_space<hbm>> -> memref<128xi32, #tpu.memory_space<hbm>>
    tpu.wait_dma2 semaphore(%arg63 : memref<!tpu.dma_semaphore, #tpu.memory_space<semaphore_mem>>) src(%dma_wait3A_56 : memref<128xi32, #tpu.memory_space<hbm>>) dst(%arg43 : memref<128xi32, #tpu.memory_space<vmem>>)
    %dma_wait3A_57 = tpu.memref_slice %arg19[%mul3A_4] : memref<4096xi32, #tpu.memory_space<hbm>> -> memref<128xi32, #tpu.memory_space<hbm>>
    %dma_wait3A_58 = tpu.memref_slice %arg19[%mul3A_4] : memref<4096xi32, #tpu.memory_space<hbm>> -> memref<128xi32, #tpu.memory_space<hbm>>
    tpu.wait_dma2 semaphore(%arg63 : memref<!tpu.dma_semaphore, #tpu.memory_space<semaphore_mem>>) src(%dma_wait3A_58 : memref<128xi32, #tpu.memory_space<hbm>>) dst(%arg44 : memref<128xi32, #tpu.memory_space<vmem>>)
    %dma_wait3A_59 = tpu.memref_slice %arg20[%mul3A_4] : memref<4096xi32, #tpu.memory_space<hbm>> -> memref<128xi32, #tpu.memory_space<hbm>>
    %dma_wait3A_60 = tpu.memref_slice %arg20[%mul3A_4] : memref<4096xi32, #tpu.memory_space<hbm>> -> memref<128xi32, #tpu.memory_space<hbm>>
    tpu.wait_dma2 semaphore(%arg63 : memref<!tpu.dma_semaphore, #tpu.memory_space<semaphore_mem>>) src(%dma_wait3A_60 : memref<128xi32, #tpu.memory_space<hbm>>) dst(%arg45 : memref<128xi32, #tpu.memory_space<vmem>>)
    %dma_wait3A_61 = tpu.memref_slice %arg21[%mul3A_4] : memref<4096xi32, #tpu.memory_space<hbm>> -> memref<128xi32, #tpu.memory_space<hbm>>
    %dma_wait3A_62 = tpu.memref_slice %arg21[%mul3A_4] : memref<4096xi32, #tpu.memory_space<hbm>> -> memref<128xi32, #tpu.memory_space<hbm>>
    tpu.wait_dma2 semaphore(%arg63 : memref<!tpu.dma_semaphore, #tpu.memory_space<semaphore_mem>>) src(%dma_wait3A_62 : memref<128xi32, #tpu.memory_space<hbm>>) dst(%arg46 : memref<128xi32, #tpu.memory_space<vmem>>)
    %dma_wait3A_63 = tpu.memref_slice %arg22[%mul3A_4] : memref<4096xi32, #tpu.memory_space<hbm>> -> memref<128xi32, #tpu.memory_space<hbm>>
    %dma_wait3A_64 = tpu.memref_slice %arg22[%mul3A_4] : memref<4096xi32, #tpu.memory_space<hbm>> -> memref<128xi32, #tpu.memory_space<hbm>>
    tpu.wait_dma2 semaphore(%arg63 : memref<!tpu.dma_semaphore, #tpu.memory_space<semaphore_mem>>) src(%dma_wait3A_64 : memref<128xi32, #tpu.memory_space<hbm>>) dst(%arg47 : memref<128xi32, #tpu.memory_space<vmem>>)
    %dma_wait3A_65 = tpu.memref_slice %arg23[%mul3A_4] : memref<4096xi32, #tpu.memory_space<hbm>> -> memref<128xi32, #tpu.memory_space<hbm>>
    %dma_wait3A_66 = tpu.memref_slice %arg23[%mul3A_4] : memref<4096xi32, #tpu.memory_space<hbm>> -> memref<128xi32, #tpu.memory_space<hbm>>
    tpu.wait_dma2 semaphore(%arg63 : memref<!tpu.dma_semaphore, #tpu.memory_space<semaphore_mem>>) src(%dma_wait3A_66 : memref<128xi32, #tpu.memory_space<hbm>>) dst(%arg48 : memref<128xi32, #tpu.memory_space<vmem>>)
    %dma_start3A_67 = arith.constant 0 : i32
    %dma_start3A_68 = arith.constant 0 : i32
    %dma_start3A_69 = tpu.memref_slice %arg13[%dma_start3A_67, %dma_start3A_68] : memref<100000x16xf32, #tpu.memory_space<hbm>> -> memref<100000x16xf32, #tpu.memory_space<hbm>>
    tpu.enqueue_indirect_dma source(%dma_start3A_69 : memref<100000x16xf32, #tpu.memory_space<hbm>>) target(%arg49 : memref<128x16xf32, #tpu.memory_space<vmem>>) offsets(%arg38 : memref<128xi32, #tpu.memory_space<vmem>>) semaphore(%arg63 : memref<!tpu.dma_semaphore, #tpu.memory_space<semaphore_mem>>)
    %dma_start3A_70 = arith.constant 0 : i32
    %dma_start3A_71 = arith.constant 0 : i32
    %dma_start3A_72 = tpu.memref_slice %arg14[%dma_start3A_70, %dma_start3A_71] : memref<100000x16xf32, #tpu.memory_space<hbm>> -> memref<100000x16xf32, #tpu.memory_space<hbm>>
    tpu.enqueue_indirect_dma source(%dma_start3A_72 : memref<100000x16xf32, #tpu.memory_space<hbm>>) target(%arg50 : memref<128x16xf32, #tpu.memory_space<vmem>>) offsets(%arg39 : memref<128xi32, #tpu.memory_space<vmem>>) semaphore(%arg63 : memref<!tpu.dma_semaphore, #tpu.memory_space<semaphore_mem>>)
    %dma_start3A_73 = arith.constant 0 : i32
    %dma_start3A_74 = arith.constant 0 : i32
    %dma_start3A_75 = tpu.memref_slice %arg15[%dma_start3A_73, %dma_start3A_74] : memref<100000x16xf32, #tpu.memory_space<hbm>> -> memref<100000x16xf32, #tpu.memory_space<hbm>>
    tpu.enqueue_indirect_dma source(%dma_start3A_75 : memref<100000x16xf32, #tpu.memory_space<hbm>>) target(%arg51 : memref<128x16xf32, #tpu.memory_space<vmem>>) offsets(%arg40 : memref<128xi32, #tpu.memory_space<vmem>>) semaphore(%arg63 : memref<!tpu.dma_semaphore, #tpu.memory_space<semaphore_mem>>)
    %dma_start3A_76 = arith.constant 0 : i32
    %dma_start3A_77 = arith.constant 0 : i32
    %dma_start3A_78 = tpu.memref_slice %arg16[%dma_start3A_76, %dma_start3A_77] : memref<100000x16xf32, #tpu.memory_space<hbm>> -> memref<100000x16xf32, #tpu.memory_space<hbm>>
    tpu.enqueue_indirect_dma source(%dma_start3A_78 : memref<100000x16xf32, #tpu.memory_space<hbm>>) target(%arg52 : memref<128x16xf32, #tpu.memory_space<vmem>>) offsets(%arg41 : memref<128xi32, #tpu.memory_space<vmem>>) semaphore(%arg63 : memref<!tpu.dma_semaphore, #tpu.memory_space<semaphore_mem>>)
    %dma_start3A_79 = arith.constant 0 : i32
    %dma_start3A_80 = arith.constant 0 : i32
    %dma_start3A_81 = tpu.memref_slice %arg17[%dma_start3A_79, %dma_start3A_80] : memref<100000x16xf32, #tpu.memory_space<hbm>> -> memref<100000x16xf32, #tpu.memory_space<hbm>>
    tpu.enqueue_indirect_dma source(%dma_start3A_81 : memref<100000x16xf32, #tpu.memory_space<hbm>>) target(%arg53 : memref<128x16xf32, #tpu.memory_space<vmem>>) offsets(%arg42 : memref<128xi32, #tpu.memory_space<vmem>>) semaphore(%arg63 : memref<!tpu.dma_semaphore, #tpu.memory_space<semaphore_mem>>)
    %dma_start3A_82 = arith.constant 0 : i32
    %dma_start3A_83 = arith.constant 0 : i32
    %dma_start3A_84 = tpu.memref_slice %arg5[%dma_start3A_82, %dma_start3A_83] : memref<1000000x16xf32, #tpu.memory_space<hbm>> -> memref<1000000x16xf32, #tpu.memory_space<hbm>>
    tpu.enqueue_indirect_dma source(%dma_start3A_84 : memref<1000000x16xf32, #tpu.memory_space<hbm>>) target(%arg54 : memref<128x16xf32, #tpu.memory_space<vmem>>) offsets(%arg43 : memref<128xi32, #tpu.memory_space<vmem>>) semaphore(%arg63 : memref<!tpu.dma_semaphore, #tpu.memory_space<semaphore_mem>>)
    %dma_start3A_85 = arith.constant 0 : i32
    %dma_start3A_86 = arith.constant 0 : i32
    %dma_start3A_87 = tpu.memref_slice %arg6[%dma_start3A_85, %dma_start3A_86] : memref<1000000x16xf32, #tpu.memory_space<hbm>> -> memref<1000000x16xf32, #tpu.memory_space<hbm>>
    tpu.enqueue_indirect_dma source(%dma_start3A_87 : memref<1000000x16xf32, #tpu.memory_space<hbm>>) target(%arg55 : memref<128x16xf32, #tpu.memory_space<vmem>>) offsets(%arg44 : memref<128xi32, #tpu.memory_space<vmem>>) semaphore(%arg63 : memref<!tpu.dma_semaphore, #tpu.memory_space<semaphore_mem>>)
    %dma_start3A_88 = arith.constant 0 : i32
    %dma_start3A_89 = arith.constant 0 : i32
    %dma_start3A_90 = tpu.memref_slice %arg7[%dma_start3A_88, %dma_start3A_89] : memref<1000000x16xf32, #tpu.memory_space<hbm>> -> memref<1000000x16xf32, #tpu.memory_space<hbm>>
    tpu.enqueue_indirect_dma source(%dma_start3A_90 : memref<1000000x16xf32, #tpu.memory_space<hbm>>) target(%arg56 : memref<128x16xf32, #tpu.memory_space<vmem>>) offsets(%arg45 : memref<128xi32, #tpu.memory_space<vmem>>) semaphore(%arg63 : memref<!tpu.dma_semaphore, #tpu.memory_space<semaphore_mem>>)
    %dma_start3A_91 = arith.constant 0 : i32
    %dma_start3A_92 = arith.constant 0 : i32
    %dma_start3A_93 = tpu.memref_slice %arg24[%dma_start3A_91, %dma_start3A_92] : memref<100000x16xf32, #tpu.memory_space<hbm>> -> memref<100000x16xf32, #tpu.memory_space<hbm>>
    tpu.enqueue_indirect_dma source(%dma_start3A_93 : memref<100000x16xf32, #tpu.memory_space<hbm>>) target(%arg57 : memref<128x16xf32, #tpu.memory_space<vmem>>) offsets(%arg46 : memref<128xi32, #tpu.memory_space<vmem>>) semaphore(%arg63 : memref<!tpu.dma_semaphore, #tpu.memory_space<semaphore_mem>>)
    %dma_start3A_94 = arith.constant 0 : i32
    %dma_start3A_95 = arith.constant 0 : i32
    %dma_start3A_96 = tpu.memref_slice %arg25[%dma_start3A_94, %dma_start3A_95] : memref<100000x16xf32, #tpu.memory_space<hbm>> -> memref<100000x16xf32, #tpu.memory_space<hbm>>
    tpu.enqueue_indirect_dma source(%dma_start3A_96 : memref<100000x16xf32, #tpu.memory_space<hbm>>) target(%arg58 : memref<128x16xf32, #tpu.memory_space<vmem>>) offsets(%arg47 : memref<128xi32, #tpu.memory_space<vmem>>) semaphore(%arg63 : memref<!tpu.dma_semaphore, #tpu.memory_space<semaphore_mem>>)
    %dma_start3A_97 = arith.constant 0 : i32
    %dma_start3A_98 = arith.constant 0 : i32
    %dma_start3A_99 = tpu.memref_slice %arg26[%dma_start3A_97, %dma_start3A_98] : memref<100000x16xf32, #tpu.memory_space<hbm>> -> memref<100000x16xf32, #tpu.memory_space<hbm>>
    tpu.enqueue_indirect_dma source(%dma_start3A_99 : memref<100000x16xf32, #tpu.memory_space<hbm>>) target(%arg59 : memref<128x16xf32, #tpu.memory_space<vmem>>) offsets(%arg48 : memref<128xi32, #tpu.memory_space<vmem>>) semaphore(%arg63 : memref<!tpu.dma_semaphore, #tpu.memory_space<semaphore_mem>>)
    %dma_wait3A_100 = arith.constant 0 : i32
    %dma_wait3A_101 = arith.constant 0 : i32
    %dma_wait3A_102 = tpu.memref_slice %arg13[%dma_wait3A_100, %dma_wait3A_101] : memref<100000x16xf32, #tpu.memory_space<hbm>> -> memref<100000x16xf32, #tpu.memory_space<hbm>>
    tpu.wait_indirect_dma semaphore(%arg63 : memref<!tpu.dma_semaphore, #tpu.memory_space<semaphore_mem>>) src(%dma_wait3A_102 : memref<100000x16xf32, #tpu.memory_space<hbm>>) dst(%arg49 : memref<128x16xf32, #tpu.memory_space<vmem>>)
    %dma_wait3A_103 = arith.constant 0 : i32
    %dma_wait3A_104 = arith.constant 0 : i32
    %dma_wait3A_105 = tpu.memref_slice %arg14[%dma_wait3A_103, %dma_wait3A_104] : memref<100000x16xf32, #tpu.memory_space<hbm>> -> memref<100000x16xf32, #tpu.memory_space<hbm>>
    tpu.wait_indirect_dma semaphore(%arg63 : memref<!tpu.dma_semaphore, #tpu.memory_space<semaphore_mem>>) src(%dma_wait3A_105 : memref<100000x16xf32, #tpu.memory_space<hbm>>) dst(%arg50 : memref<128x16xf32, #tpu.memory_space<vmem>>)
    %dma_wait3A_106 = arith.constant 0 : i32
    %dma_wait3A_107 = arith.constant 0 : i32
    %dma_wait3A_108 = tpu.memref_slice %arg15[%dma_wait3A_106, %dma_wait3A_107] : memref<100000x16xf32, #tpu.memory_space<hbm>> -> memref<100000x16xf32, #tpu.memory_space<hbm>>
    tpu.wait_indirect_dma semaphore(%arg63 : memref<!tpu.dma_semaphore, #tpu.memory_space<semaphore_mem>>) src(%dma_wait3A_108 : memref<100000x16xf32, #tpu.memory_space<hbm>>) dst(%arg51 : memref<128x16xf32, #tpu.memory_space<vmem>>)
    %dma_wait3A_109 = arith.constant 0 : i32
    %dma_wait3A_110 = arith.constant 0 : i32
    %dma_wait3A_111 = tpu.memref_slice %arg16[%dma_wait3A_109, %dma_wait3A_110] : memref<100000x16xf32, #tpu.memory_space<hbm>> -> memref<100000x16xf32, #tpu.memory_space<hbm>>
    tpu.wait_indirect_dma semaphore(%arg63 : memref<!tpu.dma_semaphore, #tpu.memory_space<semaphore_mem>>) src(%dma_wait3A_111 : memref<100000x16xf32, #tpu.memory_space<hbm>>) dst(%arg52 : memref<128x16xf32, #tpu.memory_space<vmem>>)
    %dma_wait3A_112 = arith.constant 0 : i32
    %dma_wait3A_113 = arith.constant 0 : i32
    %dma_wait3A_114 = tpu.memref_slice %arg17[%dma_wait3A_112, %dma_wait3A_113] : memref<100000x16xf32, #tpu.memory_space<hbm>> -> memref<100000x16xf32, #tpu.memory_space<hbm>>
    tpu.wait_indirect_dma semaphore(%arg63 : memref<!tpu.dma_semaphore, #tpu.memory_space<semaphore_mem>>) src(%dma_wait3A_114 : memref<100000x16xf32, #tpu.memory_space<hbm>>) dst(%arg53 : memref<128x16xf32, #tpu.memory_space<vmem>>)
    %dma_wait3A_115 = arith.constant 0 : i32
    %dma_wait3A_116 = arith.constant 0 : i32
    %dma_wait3A_117 = tpu.memref_slice %arg5[%dma_wait3A_115, %dma_wait3A_116] : memref<1000000x16xf32, #tpu.memory_space<hbm>> -> memref<1000000x16xf32, #tpu.memory_space<hbm>>
    tpu.wait_indirect_dma semaphore(%arg63 : memref<!tpu.dma_semaphore, #tpu.memory_space<semaphore_mem>>) src(%dma_wait3A_117 : memref<1000000x16xf32, #tpu.memory_space<hbm>>) dst(%arg54 : memref<128x16xf32, #tpu.memory_space<vmem>>)
    %dma_wait3A_118 = arith.constant 0 : i32
    %dma_wait3A_119 = arith.constant 0 : i32
    %dma_wait3A_120 = tpu.memref_slice %arg6[%dma_wait3A_118, %dma_wait3A_119] : memref<1000000x16xf32, #tpu.memory_space<hbm>> -> memref<1000000x16xf32, #tpu.memory_space<hbm>>
    tpu.wait_indirect_dma semaphore(%arg63 : memref<!tpu.dma_semaphore, #tpu.memory_space<semaphore_mem>>) src(%dma_wait3A_120 : memref<1000000x16xf32, #tpu.memory_space<hbm>>) dst(%arg55 : memref<128x16xf32, #tpu.memory_space<vmem>>)
    %dma_wait3A_121 = arith.constant 0 : i32
    %dma_wait3A_122 = arith.constant 0 : i32
    %dma_wait3A_123 = tpu.memref_slice %arg7[%dma_wait3A_121, %dma_wait3A_122] : memref<1000000x16xf32, #tpu.memory_space<hbm>> -> memref<1000000x16xf32, #tpu.memory_space<hbm>>
    tpu.wait_indirect_dma semaphore(%arg63 : memref<!tpu.dma_semaphore, #tpu.memory_space<semaphore_mem>>) src(%dma_wait3A_123 : memref<1000000x16xf32, #tpu.memory_space<hbm>>) dst(%arg56 : memref<128x16xf32, #tpu.memory_space<vmem>>)
    %dma_wait3A_124 = arith.constant 0 : i32
    %dma_wait3A_125 = arith.constant 0 : i32
    %dma_wait3A_126 = tpu.memref_slice %arg24[%dma_wait3A_124, %dma_wait3A_125] : memref<100000x16xf32, #tpu.memory_space<hbm>> -> memref<100000x16xf32, #tpu.memory_space<hbm>>
    tpu.wait_indirect_dma semaphore(%arg63 : memref<!tpu.dma_semaphore, #tpu.memory_space<semaphore_mem>>) src(%dma_wait3A_126 : memref<100000x16xf32, #tpu.memory_space<hbm>>) dst(%arg57 : memref<128x16xf32, #tpu.memory_space<vmem>>)
    %dma_wait3A_127 = arith.constant 0 : i32
    %dma_wait3A_128 = arith.constant 0 : i32
    %dma_wait3A_129 = tpu.memref_slice %arg25[%dma_wait3A_127, %dma_wait3A_128] : memref<100000x16xf32, #tpu.memory_space<hbm>> -> memref<100000x16xf32, #tpu.memory_space<hbm>>
    tpu.wait_indirect_dma semaphore(%arg63 : memref<!tpu.dma_semaphore, #tpu.memory_space<semaphore_mem>>) src(%dma_wait3A_129 : memref<100000x16xf32, #tpu.memory_space<hbm>>) dst(%arg58 : memref<128x16xf32, #tpu.memory_space<vmem>>)
    %dma_wait3A_130 = arith.constant 0 : i32
    %dma_wait3A_131 = arith.constant 0 : i32
    %dma_wait3A_132 = tpu.memref_slice %arg26[%dma_wait3A_130, %dma_wait3A_131] : memref<100000x16xf32, #tpu.memory_space<hbm>> -> memref<100000x16xf32, #tpu.memory_space<hbm>>
    tpu.wait_indirect_dma semaphore(%arg63 : memref<!tpu.dma_semaphore, #tpu.memory_space<semaphore_mem>>) src(%dma_wait3A_132 : memref<100000x16xf32, #tpu.memory_space<hbm>>) dst(%arg59 : memref<128x16xf32, #tpu.memory_space<vmem>>)
    %dma_start3A_133 = arith.constant 0 : i32
    %dma_start3A_134 = tpu.memref_slice %arg28[%mul3A_4, %dma_start3A_133] : memref<4096x80xf32, #tpu.memory_space<hbm>> -> memref<128x16xf32, #tpu.memory_space<hbm>>
    %dma_start3A_135 = arith.constant 0 : i32
    %dma_start3A_136 = tpu.memref_slice %arg28[%mul3A_4, %dma_start3A_135] : memref<4096x80xf32, #tpu.memory_space<hbm>> -> memref<128x16xf32, #tpu.memory_space<hbm>>
    tpu.enqueue_dma source(%arg49 : memref<128x16xf32, #tpu.memory_space<vmem>>) target(%dma_start3A_136 : memref<128x16xf32, #tpu.memory_space<hbm>>) target_semaphore(%arg61 : memref<!tpu.dma_semaphore, #tpu.memory_space<semaphore_mem>>)
    %dma_start3A_137 = arith.constant 16 : i32
    %dma_start3A_138 = tpu.memref_slice %arg28[%mul3A_4, %dma_start3A_137] : memref<4096x80xf32, #tpu.memory_space<hbm>> -> memref<128x16xf32, #tpu.memory_space<hbm>>
    %dma_start3A_139 = arith.constant 16 : i32
    %dma_start3A_140 = tpu.memref_slice %arg28[%mul3A_4, %dma_start3A_139] : memref<4096x80xf32, #tpu.memory_space<hbm>> -> memref<128x16xf32, #tpu.memory_space<hbm>>
    tpu.enqueue_dma source(%arg50 : memref<128x16xf32, #tpu.memory_space<vmem>>) target(%dma_start3A_140 : memref<128x16xf32, #tpu.memory_space<hbm>>) target_semaphore(%arg61 : memref<!tpu.dma_semaphore, #tpu.memory_space<semaphore_mem>>)
    %dma_start3A_141 = arith.constant 32 : i32
    %dma_start3A_142 = tpu.memref_slice %arg28[%mul3A_4, %dma_start3A_141] : memref<4096x80xf32, #tpu.memory_space<hbm>> -> memref<128x16xf32, #tpu.memory_space<hbm>>
    %dma_start3A_143 = arith.constant 32 : i32
    %dma_start3A_144 = tpu.memref_slice %arg28[%mul3A_4, %dma_start3A_143] : memref<4096x80xf32, #tpu.memory_space<hbm>> -> memref<128x16xf32, #tpu.memory_space<hbm>>
    tpu.enqueue_dma source(%arg51 : memref<128x16xf32, #tpu.memory_space<vmem>>) target(%dma_start3A_144 : memref<128x16xf32, #tpu.memory_space<hbm>>) target_semaphore(%arg61 : memref<!tpu.dma_semaphore, #tpu.memory_space<semaphore_mem>>)
    %dma_start3A_145 = arith.constant 48 : i32
    %dma_start3A_146 = tpu.memref_slice %arg28[%mul3A_4, %dma_start3A_145] : memref<4096x80xf32, #tpu.memory_space<hbm>> -> memref<128x16xf32, #tpu.memory_space<hbm>>
    %dma_start3A_147 = arith.constant 48 : i32
    %dma_start3A_148 = tpu.memref_slice %arg28[%mul3A_4, %dma_start3A_147] : memref<4096x80xf32, #tpu.memory_space<hbm>> -> memref<128x16xf32, #tpu.memory_space<hbm>>
    tpu.enqueue_dma source(%arg52 : memref<128x16xf32, #tpu.memory_space<vmem>>) target(%dma_start3A_148 : memref<128x16xf32, #tpu.memory_space<hbm>>) target_semaphore(%arg61 : memref<!tpu.dma_semaphore, #tpu.memory_space<semaphore_mem>>)
    %dma_start3A_149 = arith.constant 64 : i32
    %dma_start3A_150 = tpu.memref_slice %arg28[%mul3A_4, %dma_start3A_149] : memref<4096x80xf32, #tpu.memory_space<hbm>> -> memref<128x16xf32, #tpu.memory_space<hbm>>
    %dma_start3A_151 = arith.constant 64 : i32
    %dma_start3A_152 = tpu.memref_slice %arg28[%mul3A_4, %dma_start3A_151] : memref<4096x80xf32, #tpu.memory_space<hbm>> -> memref<128x16xf32, #tpu.memory_space<hbm>>
    tpu.enqueue_dma source(%arg53 : memref<128x16xf32, #tpu.memory_space<vmem>>) target(%dma_start3A_152 : memref<128x16xf32, #tpu.memory_space<hbm>>) target_semaphore(%arg61 : memref<!tpu.dma_semaphore, #tpu.memory_space<semaphore_mem>>)
    %dma_start3A_153 = arith.constant 0 : i32
    %dma_start3A_154 = tpu.memref_slice %arg30[%mul3A_4, %dma_start3A_153] : memref<4096x48xf32, #tpu.memory_space<hbm>> -> memref<128x16xf32, #tpu.memory_space<hbm>>
    %dma_start3A_155 = arith.constant 0 : i32
    %dma_start3A_156 = tpu.memref_slice %arg30[%mul3A_4, %dma_start3A_155] : memref<4096x48xf32, #tpu.memory_space<hbm>> -> memref<128x16xf32, #tpu.memory_space<hbm>>
    tpu.enqueue_dma source(%arg54 : memref<128x16xf32, #tpu.memory_space<vmem>>) target(%dma_start3A_156 : memref<128x16xf32, #tpu.memory_space<hbm>>) target_semaphore(%arg61 : memref<!tpu.dma_semaphore, #tpu.memory_space<semaphore_mem>>)
    %dma_start3A_157 = arith.constant 16 : i32
    %dma_start3A_158 = tpu.memref_slice %arg30[%mul3A_4, %dma_start3A_157] : memref<4096x48xf32, #tpu.memory_space<hbm>> -> memref<128x16xf32, #tpu.memory_space<hbm>>
    %dma_start3A_159 = arith.constant 16 : i32
    %dma_start3A_160 = tpu.memref_slice %arg30[%mul3A_4, %dma_start3A_159] : memref<4096x48xf32, #tpu.memory_space<hbm>> -> memref<128x16xf32, #tpu.memory_space<hbm>>
    tpu.enqueue_dma source(%arg55 : memref<128x16xf32, #tpu.memory_space<vmem>>) target(%dma_start3A_160 : memref<128x16xf32, #tpu.memory_space<hbm>>) target_semaphore(%arg61 : memref<!tpu.dma_semaphore, #tpu.memory_space<semaphore_mem>>)
    %dma_start3A_161 = arith.constant 32 : i32
    %dma_start3A_162 = tpu.memref_slice %arg30[%mul3A_4, %dma_start3A_161] : memref<4096x48xf32, #tpu.memory_space<hbm>> -> memref<128x16xf32, #tpu.memory_space<hbm>>
    %dma_start3A_163 = arith.constant 32 : i32
    %dma_start3A_164 = tpu.memref_slice %arg30[%mul3A_4, %dma_start3A_163] : memref<4096x48xf32, #tpu.memory_space<hbm>> -> memref<128x16xf32, #tpu.memory_space<hbm>>
    tpu.enqueue_dma source(%arg56 : memref<128x16xf32, #tpu.memory_space<vmem>>) target(%dma_start3A_164 : memref<128x16xf32, #tpu.memory_space<hbm>>) target_semaphore(%arg61 : memref<!tpu.dma_semaphore, #tpu.memory_space<semaphore_mem>>)
    %dma_start3A_165 = arith.constant 0 : i32
    %dma_start3A_166 = tpu.memref_slice %arg31[%mul3A_4, %dma_start3A_165] : memref<4096x48xf32, #tpu.memory_space<hbm>> -> memref<128x16xf32, #tpu.memory_space<hbm>>
    %dma_start3A_167 = arith.constant 0 : i32
    %dma_start3A_168 = tpu.memref_slice %arg31[%mul3A_4, %dma_start3A_167] : memref<4096x48xf32, #tpu.memory_space<hbm>> -> memref<128x16xf32, #tpu.memory_space<hbm>>
    tpu.enqueue_dma source(%arg57 : memref<128x16xf32, #tpu.memory_space<vmem>>) target(%dma_start3A_168 : memref<128x16xf32, #tpu.memory_space<hbm>>) target_semaphore(%arg61 : memref<!tpu.dma_semaphore, #tpu.memory_space<semaphore_mem>>)
    %dma_start3A_169 = arith.constant 16 : i32
    %dma_start3A_170 = tpu.memref_slice %arg31[%mul3A_4, %dma_start3A_169] : memref<4096x48xf32, #tpu.memory_space<hbm>> -> memref<128x16xf32, #tpu.memory_space<hbm>>
    %dma_start3A_171 = arith.constant 16 : i32
    %dma_start3A_172 = tpu.memref_slice %arg31[%mul3A_4, %dma_start3A_171] : memref<4096x48xf32, #tpu.memory_space<hbm>> -> memref<128x16xf32, #tpu.memory_space<hbm>>
    tpu.enqueue_dma source(%arg58 : memref<128x16xf32, #tpu.memory_space<vmem>>) target(%dma_start3A_172 : memref<128x16xf32, #tpu.memory_space<hbm>>) target_semaphore(%arg61 : memref<!tpu.dma_semaphore, #tpu.memory_space<semaphore_mem>>)
    %dma_start3A_173 = arith.constant 32 : i32
    %dma_start3A_174 = tpu.memref_slice %arg31[%mul3A_4, %dma_start3A_173] : memref<4096x48xf32, #tpu.memory_space<hbm>> -> memref<128x16xf32, #tpu.memory_space<hbm>>
    %dma_start3A_175 = arith.constant 32 : i32
    %dma_start3A_176 = tpu.memref_slice %arg31[%mul3A_4, %dma_start3A_175] : memref<4096x48xf32, #tpu.memory_space<hbm>> -> memref<128x16xf32, #tpu.memory_space<hbm>>
    tpu.enqueue_dma source(%arg59 : memref<128x16xf32, #tpu.memory_space<vmem>>) target(%dma_start3A_176 : memref<128x16xf32, #tpu.memory_space<hbm>>) target_semaphore(%arg61 : memref<!tpu.dma_semaphore, #tpu.memory_space<semaphore_mem>>)
    %dma_wait3A_177 = arith.constant 0 : i32
    %dma_wait3A_178 = tpu.memref_slice %arg28[%mul3A_4, %dma_wait3A_177] : memref<4096x80xf32, #tpu.memory_space<hbm>> -> memref<128x16xf32, #tpu.memory_space<hbm>>
    %dma_wait3A_179 = arith.constant 0 : i32
    %dma_wait3A_180 = tpu.memref_slice %arg28[%mul3A_4, %dma_wait3A_179] : memref<4096x80xf32, #tpu.memory_space<hbm>> -> memref<128x16xf32, #tpu.memory_space<hbm>>
    tpu.wait_dma2 semaphore(%arg61 : memref<!tpu.dma_semaphore, #tpu.memory_space<semaphore_mem>>) src(%arg49 : memref<128x16xf32, #tpu.memory_space<vmem>>) dst(%dma_wait3A_180 : memref<128x16xf32, #tpu.memory_space<hbm>>)
    %dma_wait3A_181 = arith.constant 16 : i32
    %dma_wait3A_182 = tpu.memref_slice %arg28[%mul3A_4, %dma_wait3A_181] : memref<4096x80xf32, #tpu.memory_space<hbm>> -> memref<128x16xf32, #tpu.memory_space<hbm>>
    %dma_wait3A_183 = arith.constant 16 : i32
    %dma_wait3A_184 = tpu.memref_slice %arg28[%mul3A_4, %dma_wait3A_183] : memref<4096x80xf32, #tpu.memory_space<hbm>> -> memref<128x16xf32, #tpu.memory_space<hbm>>
    tpu.wait_dma2 semaphore(%arg61 : memref<!tpu.dma_semaphore, #tpu.memory_space<semaphore_mem>>) src(%arg50 : memref<128x16xf32, #tpu.memory_space<vmem>>) dst(%dma_wait3A_184 : memref<128x16xf32, #tpu.memory_space<hbm>>)
    %dma_wait3A_185 = arith.constant 32 : i32
    %dma_wait3A_186 = tpu.memref_slice %arg28[%mul3A_4, %dma_wait3A_185] : memref<4096x80xf32, #tpu.memory_space<hbm>> -> memref<128x16xf32, #tpu.memory_space<hbm>>
    %dma_wait3A_187 = arith.constant 32 : i32
    %dma_wait3A_188 = tpu.memref_slice %arg28[%mul3A_4, %dma_wait3A_187] : memref<4096x80xf32, #tpu.memory_space<hbm>> -> memref<128x16xf32, #tpu.memory_space<hbm>>
    tpu.wait_dma2 semaphore(%arg61 : memref<!tpu.dma_semaphore, #tpu.memory_space<semaphore_mem>>) src(%arg51 : memref<128x16xf32, #tpu.memory_space<vmem>>) dst(%dma_wait3A_188 : memref<128x16xf32, #tpu.memory_space<hbm>>)
    %dma_wait3A_189 = arith.constant 48 : i32
    %dma_wait3A_190 = tpu.memref_slice %arg28[%mul3A_4, %dma_wait3A_189] : memref<4096x80xf32, #tpu.memory_space<hbm>> -> memref<128x16xf32, #tpu.memory_space<hbm>>
    %dma_wait3A_191 = arith.constant 48 : i32
    %dma_wait3A_192 = tpu.memref_slice %arg28[%mul3A_4, %dma_wait3A_191] : memref<4096x80xf32, #tpu.memory_space<hbm>> -> memref<128x16xf32, #tpu.memory_space<hbm>>
    tpu.wait_dma2 semaphore(%arg61 : memref<!tpu.dma_semaphore, #tpu.memory_space<semaphore_mem>>) src(%arg52 : memref<128x16xf32, #tpu.memory_space<vmem>>) dst(%dma_wait3A_192 : memref<128x16xf32, #tpu.memory_space<hbm>>)
    %dma_wait3A_193 = arith.constant 64 : i32
    %dma_wait3A_194 = tpu.memref_slice %arg28[%mul3A_4, %dma_wait3A_193] : memref<4096x80xf32, #tpu.memory_space<hbm>> -> memref<128x16xf32, #tpu.memory_space<hbm>>
    %dma_wait3A_195 = arith.constant 64 : i32
    %dma_wait3A_196 = tpu.memref_slice %arg28[%mul3A_4, %dma_wait3A_195] : memref<4096x80xf32, #tpu.memory_space<hbm>> -> memref<128x16xf32, #tpu.memory_space<hbm>>
    tpu.wait_dma2 semaphore(%arg61 : memref<!tpu.dma_semaphore, #tpu.memory_space<semaphore_mem>>) src(%arg53 : memref<128x16xf32, #tpu.memory_space<vmem>>) dst(%dma_wait3A_196 : memref<128x16xf32, #tpu.memory_space<hbm>>)
    %dma_wait3A_197 = arith.constant 0 : i32
    %dma_wait3A_198 = tpu.memref_slice %arg30[%mul3A_4, %dma_wait3A_197] : memref<4096x48xf32, #tpu.memory_space<hbm>> -> memref<128x16xf32, #tpu.memory_space<hbm>>
    %dma_wait3A_199 = arith.constant 0 : i32
    %dma_wait3A_200 = tpu.memref_slice %arg30[%mul3A_4, %dma_wait3A_199] : memref<4096x48xf32, #tpu.memory_space<hbm>> -> memref<128x16xf32, #tpu.memory_space<hbm>>
    tpu.wait_dma2 semaphore(%arg61 : memref<!tpu.dma_semaphore, #tpu.memory_space<semaphore_mem>>) src(%arg54 : memref<128x16xf32, #tpu.memory_space<vmem>>) dst(%dma_wait3A_200 : memref<128x16xf32, #tpu.memory_space<hbm>>)
    %dma_wait3A_201 = arith.constant 16 : i32
    %dma_wait3A_202 = tpu.memref_slice %arg30[%mul3A_4, %dma_wait3A_201] : memref<4096x48xf32, #tpu.memory_space<hbm>> -> memref<128x16xf32, #tpu.memory_space<hbm>>
    %dma_wait3A_203 = arith.constant 16 : i32
    %dma_wait3A_204 = tpu.memref_slice %arg30[%mul3A_4, %dma_wait3A_203] : memref<4096x48xf32, #tpu.memory_space<hbm>> -> memref<128x16xf32, #tpu.memory_space<hbm>>
    tpu.wait_dma2 semaphore(%arg61 : memref<!tpu.dma_semaphore, #tpu.memory_space<semaphore_mem>>) src(%arg55 : memref<128x16xf32, #tpu.memory_space<vmem>>) dst(%dma_wait3A_204 : memref<128x16xf32, #tpu.memory_space<hbm>>)
    %dma_wait3A_205 = arith.constant 32 : i32
    %dma_wait3A_206 = tpu.memref_slice %arg30[%mul3A_4, %dma_wait3A_205] : memref<4096x48xf32, #tpu.memory_space<hbm>> -> memref<128x16xf32, #tpu.memory_space<hbm>>
    %dma_wait3A_207 = arith.constant 32 : i32
    %dma_wait3A_208 = tpu.memref_slice %arg30[%mul3A_4, %dma_wait3A_207] : memref<4096x48xf32, #tpu.memory_space<hbm>> -> memref<128x16xf32, #tpu.memory_space<hbm>>
    tpu.wait_dma2 semaphore(%arg61 : memref<!tpu.dma_semaphore, #tpu.memory_space<semaphore_mem>>) src(%arg56 : memref<128x16xf32, #tpu.memory_space<vmem>>) dst(%dma_wait3A_208 : memref<128x16xf32, #tpu.memory_space<hbm>>)
    %dma_wait3A_209 = arith.constant 0 : i32
    %dma_wait3A_210 = tpu.memref_slice %arg31[%mul3A_4, %dma_wait3A_209] : memref<4096x48xf32, #tpu.memory_space<hbm>> -> memref<128x16xf32, #tpu.memory_space<hbm>>
    %dma_wait3A_211 = arith.constant 0 : i32
    %dma_wait3A_212 = tpu.memref_slice %arg31[%mul3A_4, %dma_wait3A_211] : memref<4096x48xf32, #tpu.memory_space<hbm>> -> memref<128x16xf32, #tpu.memory_space<hbm>>
    tpu.wait_dma2 semaphore(%arg61 : memref<!tpu.dma_semaphore, #tpu.memory_space<semaphore_mem>>) src(%arg57 : memref<128x16xf32, #tpu.memory_space<vmem>>) dst(%dma_wait3A_212 : memref<128x16xf32, #tpu.memory_space<hbm>>)
    %dma_wait3A_213 = arith.constant 16 : i32
    %dma_wait3A_214 = tpu.memref_slice %arg31[%mul3A_4, %dma_wait3A_213] : memref<4096x48xf32, #tpu.memory_space<hbm>> -> memref<128x16xf32, #tpu.memory_space<hbm>>
    %dma_wait3A_215 = arith.constant 16 : i32
    %dma_wait3A_216 = tpu.memref_slice %arg31[%mul3A_4, %dma_wait3A_215] : memref<4096x48xf32, #tpu.memory_space<hbm>> -> memref<128x16xf32, #tpu.memory_space<hbm>>
    tpu.wait_dma2 semaphore(%arg61 : memref<!tpu.dma_semaphore, #tpu.memory_space<semaphore_mem>>) src(%arg58 : memref<128x16xf32, #tpu.memory_space<vmem>>) dst(%dma_wait3A_216 : memref<128x16xf32, #tpu.memory_space<hbm>>)
    %dma_wait3A_217 = arith.constant 32 : i32
    %dma_wait3A_218 = tpu.memref_slice %arg31[%mul3A_4, %dma_wait3A_217] : memref<4096x48xf32, #tpu.memory_space<hbm>> -> memref<128x16xf32, #tpu.memory_space<hbm>>
    %dma_wait3A_219 = arith.constant 32 : i32
    %dma_wait3A_220 = tpu.memref_slice %arg31[%mul3A_4, %dma_wait3A_219] : memref<4096x48xf32, #tpu.memory_space<hbm>> -> memref<128x16xf32, #tpu.memory_space<hbm>>
    tpu.wait_dma2 semaphore(%arg61 : memref<!tpu.dma_semaphore, #tpu.memory_space<semaphore_mem>>) src(%arg59 : memref<128x16xf32, #tpu.memory_space<vmem>>) dst(%dma_wait3A_220 : memref<128x16xf32, #tpu.memory_space<hbm>>)
    return
  }
}

</mosaic_0001>

<sc_bundles>
// kernel: kernel.3.cloned.1.call-start
scs
__scs_entry_jumppad:
0x0: {  	(pc) =	sbr.rel $0x88, $3  }
0x1: {  	(tag) =	ssettag $0x0;
	lr =	simm.s32 $0x1  }
0x2: {  	[smem:$0x3F92] =	sst lr;
	_ =	strace $0xD0000000  }
0x3: {  	_ = 	snop  }
0x4: {  	_ = 	snop  }
0x5: {  	_ = 	snop  }
0x6: {  	_ = 	snop  }
0x7: {  	_ = 	snop  }
__scs_overlays_trampoline_lowered:
0x8: {  	[smem:$0x3FA1] =	sst s0  }
0x9: {  	[smem:$0x3FA2] =	sst s1  }
0xa: {  	[smem:$0x3FA3] =	sst s2  }
0xb: {  	[smem:$0x3FA4] =	sst s3  }
0xc: {  	[smem:$0x3FA5] =	sst s4  }
0xd: {  	[smem:$0x3FA6] =	sst s5  }
0xe: {  	[smem:$0x3FA7] =	sst s6  }
0xf: {  	[smem:$0x3FA8] =	sst s7  }
0x10: {  	[smem:$0x3FA9] =	sst s8  }
0x11: {  	[smem:$0x3FAA] =	sst s9;
	s0 =	simm.s32 @!p0 $0x0  }
0x12: {  	s1 =	sld [smem:$0x3F90];
	s0 =	simm.s32 @p0 $0x1  }
0x13: {  	[smem:$0x3FAB] =	sst s0;
	s0 =	simm.s32 @!p1 $0x0  }
0x14: {  	s2 =	sld [smem:$0x3F8F];
	s0 =	simm.s32 @p1 $0x1  }
0x15: {  	[smem:$0x3FAC] =	sst s0;
	s0 =	simm.s32 @!p2 $0x0  }
0x16: {  	s3 =	sld [smem:$0x3FDB];
	s0 =	simm.s32 @p2 $0x1  }
0x17: {  	s4 =	simm.s32 $0x1BF5;
	[smem:$0x3FAE] =	sst s0  }
0x18: {  	s0 =	sld [smem:$0x3F91];
	_ =	swait.ge [sflag:s4], $0x0  }
0x19: {  	s7 =	sld [smem:$0x3F92]  }
0x1a: {  	s8 =	sadd.s32 $0xFFFFE003, lr  }
0x1b: {  	s9 =	sadd.s32 $0xFFFFFEF7, lr;
	s5 =	simm.s32 $0xFFFFFFFF;
	p2 =	slt.u32 s8, $0xFFFFF086  }
0x1c: {  	p1 =	slt.u32 s9, $0xF7A;
	s5 =	simm.s32 @!p2 $0x0  }
0x1d: {  	s5 =	simm.s32 @p1 $0x1;
	p0 =	seq.s32 s7, s2  }
0x1e: {  	s7 =	smul.u32 @!p0 $0xF7A, s2;
	p2 =	seq.s32 @!p0 s5, $0x0  }
0x1f: {  	s9 =	smul.u32 $0xF7A, s1;
	s8 =	simm.s32 @!p0 $0x1BF5;
	p2 =	por !p2, p0  }
0x20: {  	[sflag:s8] =	ssyncset.s32 @!p0 $0xFFFFF086;
	s6 =	sadd.s32 @!p0 s3, s7;
	s7 =	simm.s32 @!p0 $0x108  }
0x21: {  	s3 =	sadd.s32 s3, s9;
	s6 =	sadd.s32 @!p0 $0x88, s6;
	s7 =	simm.s32 @p2 $0x1082  }
0x22: {  	[simem:s7], [sflag:s8] =	dma.local @!p0 [hbm:s6], $0xF7A  }
0x23: {  	s9 =	sor.u32 $0xD0000000, s2;
	s6 =	simm.s32 $0x108;
	_ =	swait.ge @!p0 [sflag:s8], $0x0  }
0x24: {  	s3 =	sadd.s32 $0x88, s3;
	s6 =	simm.s32 @!p1 $0x1082;
	[sflag:s4] =	ssyncset.s32 $0xFFFFF086  }
0x25: {  	[simem:s6], [sflag:s4] =	dma.local [hbm:s3], $0xF7A  }
0x26: {  	[smem:$0x3F92] =	sst s1;
	(tag) =	ssettag s2;
	_ =	strace s9  }
0x27: {  	s1 =	sld [smem:$0x3FA2]  }
0x28: {  	s2 =	sld [smem:$0x3FA3]  }
0x29: {  	s4 =	sld [smem:$0x3FA5]  }
0x2a: {  	p0 =	seq.s32 s5, $0x0;
	s5 =	sld [smem:$0x3FA6]  }
0x2b: {  	s6 =	sld [smem:$0x3FA7]  }
0x2c: {  	s7 =	sld [smem:$0x3FA8]  }
0x2d: {  	s3 =	simm.s32 $0x108;
	s8 =	sld [smem:$0x3FA9]  }
0x2e: {  	s3 =	simm.s32 @!p0 $0x1082;
	s9 =	sld [smem:$0x3FAA]  }
0x2f: {  	lr =	sadd.s32 s0, s3;
	s0 =	sld [smem:$0x3FA1]  }
0x30: {  	s3 =	sld [smem:$0x3FA4]  }
0x31: {  	[smem:$0x3FAD] =	sst s10  }
0x32: {  	s10 =	sld [smem:$0x3FAB];
	_ =	sdelay $0x3  }
0x33: {  	p0 =	seq.s32 s10, $0x1;
	s10 =	sld [smem:$0x3FAD];
	_ =	sdelay $0x3  }
0x34: {  	[smem:$0x3FAD] =	sst s10  }
0x35: {  	s10 =	sld [smem:$0x3FAC];
	_ =	sdelay $0x3  }
0x36: {  	p1 =	seq.s32 s10, $0x1;
	s10 =	sld [smem:$0x3FAD];
	_ =	sdelay $0x3  }
0x37: {  	[smem:$0x3FAD] =	sst s10  }
0x38: {  	s10 =	sld [smem:$0x3FAE]  }
0x39: {  	_ = 	snop;
	(pc) =	sbr.ind lr, $3  }
0x3a: {  	_ = 	snop  }
0x3b: {  	_ = 	snop  }
0x3c: {  	p2 =	seq.s32 s10, $0x1;
	s10 =	sld [smem:$0x3FAD]  }
0x3d: {  	_ =	shalt  }
0x3e: {  	_ =	shalt  }
0x3f: {  	_ =	shalt  }
0x40: {  	_ =	shalt  }
0x41: {  	_ =	shalt  }
0x42: {  	_ =	shalt  }
0x43: {  	_ =	shalt  }
0x44: {  	_ =	shalt  }
0x45: {  	_ =	shalt  }
0x46: {  	_ =	shalt  }
0x47: {  	_ =	shalt  }
0x48: {  	_ =	shalt  }
0x49: {  	_ =	shalt  }
0x4a: {  	_ =	shalt  }
0x4b: {  	_ =	shalt  }
0x4c: {  	_ =	shalt  }
0x4d: {  	_ =	shalt  }
0x4e: {  	_ =	shalt  }
0x4f: {  	_ =	shalt  }
0x50: {  	_ =	shalt  }
0x51: {  	_ =	shalt  }
0x52: {  	_ =	shalt  }
0x53: {  	_ =	shalt  }
0x54: {  	_ =	shalt  }
0x55: {  	_ =	shalt  }
0x56: {  	_ =	shalt  }
0x57: {  	_ =	shalt  }
0x58: {  	_ =	shalt  }
0x59: {  	_ =	shalt  }
0x5a: {  	_ =	shalt  }
0x5b: {  	_ =	shalt  }
0x5c: {  	_ =	shalt  }
0x5d: {  	_ =	shalt  }
0x5e: {  	_ =	shalt  }
0x5f: {  	_ =	shalt  }
0x60: {  	_ =	shalt  }
0x61: {  	_ =	shalt  }
0x62: {  	_ =	shalt  }
0x63: {  	_ =	shalt  }
0x64: {  	_ =	shalt  }
0x65: {  	_ =	shalt  }
0x66: {  	_ =	shalt  }
0x67: {  	_ =	shalt  }
0x68: {  	_ =	shalt  }
0x69: {  	_ =	shalt  }
0x6a: {  	_ =	shalt  }
0x6b: {  	_ =	shalt  }
0x6c: {  	_ =	shalt  }
0x6d: {  	_ =	shalt  }
0x6e: {  	_ =	shalt  }
0x6f: {  	_ =	shalt  }
0x70: {  	_ =	shalt  }
0x71: {  	_ =	shalt  }
0x72: {  	_ =	shalt  }
0x73: {  	_ =	shalt  }
0x74: {  	_ =	shalt  }
0x75: {  	_ =	shalt  }
0x76: {  	_ =	shalt  }
0x77: {  	_ =	shalt  }
0x78: {  	_ =	shalt  }
0x79: {  	_ =	shalt  }
0x7a: {  	_ =	shalt  }
0x7b: {  	_ =	shalt  }
0x7c: {  	_ =	shalt  }
0x7d: {  	_ =	shalt  }
0x7e: {  	_ =	shalt  }
0x7f: {  	_ =	shalt  }
0x80: {  	_ =	shalt  }
0x81: {  	_ =	shalt  }
0x82: {  	_ =	shalt  }
0x83: {  	_ =	shalt  }
0x84: {  	_ =	shalt  }
0x85: {  	_ =	shalt  }
0x86: {  	_ =	shalt  }
0x87: {  	_ =	shalt  }
.Lfunc_end0:
.L_simem_size_0:
called_computation.1_lowered:
.L_overlay_start_0:
0x88: {  	s2 =	sld [smem:$0x3FD9]  }
0x89: {  	s3 =	sld [smem:$0x3FFE];
	_ =	sdelay $0x1  }
0x8a: {  	s1 =	srdreg.scid  }
0x8b: {  	s0 =	sand.u32 $0x1, s1  }
0x8c: {  	s14 =	sshll.u32 s0, $0xA;
	s2 =	sadd.s32 s3, s2  }
0x8d: {  	s2 =	sadd.s32 s2, s14  }
0x8e: {  	[smem:$0x3FB9] =	sst s2  }
0x8f: {  	_ = 	snop  }
0x90: {  	s2 =	sld [smem:$0x3FD0];
	_ =	sdelay $0x2  }
0x91: {  	s15 =	simm.s32 $0xA;
	s4 =	simm.s32 $0x10  }
0x92: {  	[smem:s4], [sflag:s15] =	dma.local [hbm:s2], $0x1  }
0x93: {  	_ =	swait.eq [sflag:s15], $0x1  }
0x94: {  	s16 =	sld [smem:$0x10]  }
0x95: {  	s17 =	sld [smem:$0x11]  }
0x96: {  	s5 =	sld [smem:$0x12];
	[sflag:s15] =	ssyncset.done $0x0  }
0x97: {  	s6 =	sld [smem:$0x13];
	[sflag:s15] =	ssyncadd.s32 $0xFFFFFFFF  }
0x98: {  	s18 =	sld [smem:$0x14];
	(tm) =	ssettm $0x1  }
0x99: {  	s7 =	sld [smem:$0x3FFB];
	_ =	sdelay $0x3  }
0x9a: {  	_ =	strace s7  }
0x9b: {  	s7 =	sld [smem:$0x3FFC];
	_ =	sdelay $0x3  }
0x9c: {  	_ =	strace s7  }
0x9d: {  	s7 =	sld [smem:$0x3FFD];
	_ =	sdelay $0x3  }
0x9e: {  	_ =	strace s7  }
0x9f: {  	_ =	strace $0x8FFFFFFF  }
0xa0: {  	s19 =	sld [smem:$0x3FDB];
	_ =	sdelay $0x1  }
0xa1: {  	s8 =	simm.s32 $_scs_section_size  }
0xa2: {  	s9 =	simm.s32 $_size__tile_overlayer_lowered;
	s10 =	simm.s32 $_tile_overlayer_lowered  }
0xa3: {  	s22 =	simm.s32 $0x1BFF;
	s21 =	sshll.u32 s10, $0x1;
	s7 =	sadd.s32 s8, s19  }
0xa4: {  	s11 =	simm.s32 $0x0;
	s20 =	sshll.u32 s9, $0x1;
	s9 =	sadd.s32 s21, s7  }
0xa5: {  	[timem:s11], [sflag:s22] =	dma.local [hbm:s9], s20  }
0xa6: {  	_ =	swait.ge [sflag:s22], s20  }
0xa7: {  	s8 =	ssub.s32 $0x0, s20;
	[sflag:s22] =	ssyncset.done $0x0  }
0xa8: {  	[sflag:s22] =	ssyncadd.s32 s8;
	_ =	sdelay $0x1  }
0xa9: {  	s23 =	simm.s32 $0x1B8B  }
0xaa: {  	_ =	swait.ge [sflag:s23], $0x1  }
0xab: {  	[sflag:s23] =	ssyncset.done $0x0  }
0xac: {  	s25 =	simm.s32 $0x1B8E;
	s24 =	sld [smem:$0x3FFE];
	[sflag:s23] =	ssyncadd.s32 $0xFFFFFFFF  }
0xad: {  	s26 =	simm.s32 $execute0_lowered;
	[smem:$0x3FD2] =	sst s25  }
0xae: {  	s9 =	sshll.u32 s26, $0x1;
	_ =	strace $0x80000046;
	[dreg:$0x1] =	wrdreg $0xFFFFFFFF  }
0xaf: {  	s28 =	simm.s32 $_size_execute0_lowered;
	s7 =	sadd.s32 s7, s9;
	[dreg:$0x0] =	wrdreg $0x0  }
0xb0: {  	s9 =	sshll.u32 s28, $0x1;
	[dreg:$0x2] =	wrdreg s7  }
0xb1: {  	[dreg:$0x3] =	wrdreg s9  }
0xb2: {  	[dreg:$0x4] =	wrdreg $0xC0  }
0xb3: {  	_ =	task [dreg:s11], $0x5FFFF  }
0xb4: {  	[dreg:$0x1] =	wrdreg $0xFFFFFFFF  }
0xb5: {  	[dreg:$0x0] =	wrdreg $0x60  }
0xb6: {  	[dreg:$0x2] =	wrdreg s24  }
0xb7: {  	[dreg:$0x3] =	wrdreg s16  }
0xb8: {  	[dreg:$0x4] =	wrdreg s6  }
0xb9: {  	[dreg:$0x5] =	wrdreg s17  }
0xba: {  	[dreg:$0x6] =	wrdreg s5  }
0xbb: {  	[dreg:$0x7] =	wrdreg s18  }
0xbc: {  	[dreg:$0x8] =	wrdreg $0x9  }
0xbd: {  	_ =	task.clear_ibuf [dreg:s11], $0x9FFFF;
	_ =	strace $0x90000046  }
0xbe: {  	s29 =	simm.s32 $0x9;
	_ =	strace $0x80000048  }
0xbf: {  	_ =	swait.ge [sflag:s29], $0x1  }
0xc0: {  	[sflag:s29] =	ssyncadd.s32 $0xFFFFFFFF  }
0xc1: {  	_ =	strace $0x90000048  }
0xc2: {  	_ =	sfence  }
0xc3: {  	s30 =	sld [smem:$0x0];
	_ =	sdelay $0x2  }
0xc4: {  	s31 =	sshll.u32 s1, $0xD;
	s1 =	sshrl.u32 s1, $0x2  }
0xc5: {  	s3 =	sand.u32 $0x4000, s31;
	s1 =	sadd.s32 s1, s30  }
0xc6: {  	s0 =	sor.u32 s3, s0;
	s1 =	sshll.u32 s1, $0x11  }
0xc7: {  	s0 =	sor.u32 s1, s0  }
0xc8: {  	s0 =	sadd.s32 $0x8F2B, s0  }
0xc9: {  	[sflag:s0] =	ssyncadd.remote.s32 $0x1  }
0xca: {  	_ =	sfence.sel $0xFFFF  }
0xcb: {  	[dreg:$0x0] =	wrdreg $0xFFFFFFFF;
	(pc) =	sbr.abs _section_cstart, $3  }
0xcc: {  	[dreg:$0x1] =	wrdreg $0xFFFFFFFF  }
0xcd: {  	_ =	task.clear_ibuf [dreg:s11], $0x2FFFF;
	_ =	strace $0x9FFFFFFF  }
0xce: {  	(tm) =	ssettm $0x7FFFFFFF  }
0xcf: {  	_ =	shalt  }
tec
execute0_lowered:
.L_overlay_start_1:
0x0: {  	(tag) =	ssettag $0x1  }
0x1: {  	s0 =	rddreg [dreg:$0x0]  }
0x2: {  	s1 =	rddreg [dreg:$0x1]  }
0x3: {  	s6 =	rddreg [dreg:$0x2]  }
0x4: {  	s10 =	rddreg [dreg:$0x3]  }
0x5: {  	s29 =	rddreg [dreg:$0x4]  }
0x6: {  	s11 =	rddreg [dreg:$0x5];
	s2 =	simm.s32 $0x0  }
0x7: {  	[smem:$0x7FF] =	sst s2;
	s3 =	sadd.s32 $0x1E600, s0  }
0x8: {  	s24 =	sadd.s32 $0x37600, s0;
	_ =	strace $0x80000047;
	[smem:$0x7F0] =	sst s3  }
0x9: {  	s14 =	sadd.s32 $0x50C00, s0;
	[smem:$0x7F1] =	sst s24  }
0xa: {  	s26 =	sadd.s32 $0x81A00, s0;
	[dreg:$0x7] =	wrdreg s14  }
0xb: {  	s28 =	sadd.s32 $0xB2800, s0;
	[dreg:$0x8] =	wrdreg s26  }
0xc: {  	s12 =	srdreg.scid;
	s2 =	sadd.s32 $0x114400, s0;
	[dreg:$0x9] =	wrdreg s28  }
0xd: {  	s13 =	stileid.u32;
	s16 =	sadd.s32 $0x145E00, s0;
	[dreg:$0xa] =	wrdreg s2  }
0xe: {  	s25 =	sadd.s32 $0x5600, s0;
	s17 =	sadd.s32 $0x176C00, s0;
	[dreg:$0xb] =	wrdreg s16  }
0xf: {  	s7 =	sadd.s32 $0xF92A00, s0;
	s18 =	sadd.s32 $0x1A7A00, s0;
	[dreg:$0xc] =	wrdreg s17  }
0x10: {  	s12 =	sand.u32 $0x1, s12;
	s19 =	sadd.s32 $0x1D8800, s0;
	[dreg:$0xf] =	wrdreg s18  }
0x11: {  	s13 =	sshll.u32 s13, $0x1;
	s21 =	sadd.s32 $0xE3600, s0;
	[smem:$0x7F2] =	sst s19  }
0x12: {  	s8 =	sadd.s32 $0x117B000, s0;
	s13 =	sor.u32 s12, s13;
	[dreg:$0x11] =	wrdreg s21  }
0x13: {  	s21 =	sadd.s32 $0x2, s29;
	s3 =	sshll.u32 s13, $0x4;
	s5 =	smul.u32 $0x500, s13  }
0x14: {  	s20 =	smul.u32 $0x300, s13;
	[smem:$0x7F7] =	sst s21;
	s1 =	sadd.s32 s1, s3  }
0x15: {  	s13 =	smul.u32 $0x6400, s13;
	s17 =	sadd.s32 s6, s3;
	[dreg:$0xd] =	wrdreg s1  }
0x16: {  	s9 =	sadd.s32 $0x1363600, s0;
	s15 =	sadd.s32 s3, s0;
	[dreg:$0xe] =	wrdreg s17  }
0x17: {  	s0 =	sadd.s32 $0x1F1800, s0;
	s22 =	sadd.s32 s11, s20;
	[dreg:$0x12] =	wrdreg s13  }
0x18: {  	s1 =	sadd.s32 s0, s20;
	[dreg:$0x13] =	wrdreg s22  }
0x19: {  	s28 =	sadd.s32 $0x50A00, s15;
	[dreg:$0x16] =	wrdreg s1  }
0x1a: {  	s2 =	sadd.s32 $0x50800, s15;
	[dreg:$0x17] =	wrdreg s28  }
0x1b: {  	s31 =	simm.s32 $0x16A80;
	s3 =	sadd.s32 $0x50600, s15;
	[dreg:$0x18] =	wrdreg s2  }
0x1c: {  	s14 =	sadd.s32 s10, s5;
	s5 =	sadd.s32 $0x145600, s15;
	[dreg:$0x19] =	wrdreg s3  }
0x1d: {  	s12 =	ssub.s32 $0x2, s12;
	s6 =	sadd.s32 $0x145400, s15;
	[dreg:$0x1b] =	wrdreg s5  }
0x1e: {  	s4 =	sshrl.u32 s12, $0x1;
	s16 =	sadd.s32 $0x145C00, s15;
	[dreg:$0x1c] =	wrdreg s6  }
0x1f: {  	s12 =	ssub.s32 s12, s4;
	s17 =	sadd.s32 $0x145A00, s15;
	[dreg:$0x1f] =	wrdreg s16  }
0x20: {  	s23 =	sor.u32 $0x2, s20;
	s18 =	sadd.s32 $0x145800, s15;
	[smem:$0x7F3] =	sst s17  }
0x21: {  	s24 =	sor.u32 $0x4, s20;
	s20 =	smax.u32 s12, $0x1;
	[smem:$0x7F4] =	sst s18  }
0x22: {  	s30 =	simm.s32 $0x80;
	s21 =	simm.s32 $0x16B80;
	[smem:$0x7F6] =	sst s20  }
0x23: {  	s19 =	sshrl.u32 s13, $0x3;
	s26 =	sadd.s32 s11, s23;
	[dreg:$0x10] =	wrdreg s14  }
0x24: {  	s10 =	simm.s32 $0x16880;
	s11 =	sadd.s32 s11, s24;
	[dreg:$0x14] =	wrdreg s26  }
0x25: {  	s12 =	simm.s32 $0x16B00;
	s4 =	sadd.s32 s0, s23;
	[dreg:$0x15] =	wrdreg s11  }
0x26: {  	s0 =	sadd.s32 s0, s24;
	s5 =	sadd.s32 $0x4, s29;
	[dreg:$0x1a] =	wrdreg s4  }
0x27: {  	s22 =	sadd.s32 $0xA00, s13;
	s23 =	sadd.s32 $0x2, s14;
	[dreg:$0x1d] =	wrdreg s0  }
0x28: {  	s24 =	sadd.s32 $0x4, s14;
	s28 =	sadd.s32 $0x8, s14;
	[smem:$0x7F8] =	sst s22  }
0x29: {  	s3 =	simm.s32 $0x16800;
	s13 =	simm.s32 $0x5;
	[smem:$0x7F9] =	sst s23  }
0x2a: {  	s6 =	simm.s32 $0x1;
	s11 =	sadd.s32 $0x145200, s15;
	[smem:$0x7FA] =	sst s24  }
0x2b: {  	s0 =	sadd.s32 s25, s19;
	s26 =	sadd.s32 $0x6, s14;
	[smem:$0x7FC] =	sst s28  }
0x2c: {  	s14 =	simm.s32 $0x16980;
	s15 =	simm.s32 $0x16A00;
	[smem:$0x7FD] =	sst s5  }
0x2d: {  	s22 =	simm.s32 $0x16C00;
	s23 =	simm.s32 $0x16C80;
	[dreg:$0x1e] =	wrdreg s11  }
0x2e: {  	s24 =	simm.s32 $0x16D00;
	s4 =	simm.s32 $0x2800;
	[smem:$0x7F5] =	sst s0  }
0x2f: {  	v0 =	vimm.s32 $0x0;
	[smem:$0x7FB] =	sst s26;
	s11 =	simm.s32 $0x16900;
	s0 =	simm.s32 $0x0  }
.LBB2_1:
0x30: {  	[smem:$0x7EF] =	sst s0  }
0x31: {  	s1 =	rddreg [dreg:$0x17]  }
0x32: {  	s2 =	simm.s32 $0x0;
	s5 =	rddreg [dreg:$0x18]  }
0x33: {  	[tilespmem:s3], [sflag:$0x4] =	stream.linear.gather [hbm4b:s1+s2], $0x80, $0x38;
	[tilespmem:$0x1C580] =	vst v63  }
0x34: {  	s16 =	rddreg [dreg:$0xd]  }
0x35: {  	[tilespmem:s10], [sflag:$0x4] =	stream.linear.gather [hbm4b:s5+s2], $0x80, $0x38;
	[tilespmem:$0x1C580] =	vst v63  }
0x36: {  	s10 =	rddreg [dreg:$0x19]  }
0x37: {  	[tilespmem:s11], [sflag:$0x4] =	stream.linear.gather [hbm4b:s10+s2], $0x80, $0x38;
	[tilespmem:$0x1C580] =	vst v63  }
0x38: {  	s17 =	rddreg [dreg:$0xe]  }
0x39: {  	[tilespmem:s14], [sflag:$0x4] =	stream.linear.gather [hbm4b:s16+s2], $0x80, $0x38;
	[tilespmem:$0x1C580] =	vst v63  }
0x3a: {  	s18 =	rddreg [dreg:$0x1b]  }
0x3b: {  	[tilespmem:s15], [sflag:$0x4] =	stream.linear.gather [hbm4b:s17+s2], $0x80, $0x38;
	[tilespmem:$0x1C580] =	vst v63  }
0x3c: {  	s19 =	rddreg [dreg:$0x1c]  }
0x3d: {  	[tilespmem:s31], [sflag:$0x4] =	stream.linear.gather [hbm4b:s18+s2], $0x80, $0x38;
	[tilespmem:$0x1C580] =	vst v63  }
0x3e: {  	s20 =	rddreg [dreg:$0x1e]  }
0x3f: {  	[tilespmem:s12], [sflag:$0x4] =	stream.linear.gather [hbm4b:s19+s2], $0x80, $0x38;
	[tilespmem:$0x1C580] =	vst v63  }
0x40: {  	s26 =	sld [smem:$0x7F3]  }
0x41: {  	[tilespmem:s21], [sflag:$0x4] =	stream.linear.gather [hbm4b:s20+s2], $0x80, $0x38;
	[tilespmem:$0x1C580] =	vst v63  }
0x42: {  	s21 =	rddreg [dreg:$0x1f]  }
0x43: {  	[tilespmem:s22], [sflag:$0x4] =	stream.linear.gather [hbm4b:s21+s2], $0x80, $0x38;
	[tilespmem:$0x1C580] =	vst v63  }
0x44: {  	s28 =	sld [smem:$0x7F4]  }
0x45: {  	[tilespmem:s23], [sflag:$0x4] =	stream.linear.gather [hbm4b:s26+s2], $0x80, $0x38;
	[tilespmem:$0x1C580] =	vst v63  }
0x46: {  	s1 =	simm.s32 $0x0;
	s31 =	sld [smem:$0x7F5]  }
0x47: {  	[tilespmem:s24], [sflag:$0x4] =	stream.linear.gather [hbm4b:s28+s2], $0x80, $0x38;
	[tilespmem:$0x1C580] =	vst v63  }
0x48: {  	s3 =	simm.s32 $0x100;
	s14 =	simm.s32 $0x0;
	s21 =	simm.s32 $0x3000  }
0x49: {  	[tilespmem:s2], [sflag:$0x5] =	stream.linear.gather [hbm4b:s31+s2], $0xA00, $0x38;
	[tilespmem:$0x1C580] =	vst v63  }
.LBB2_2:
0x4a: {  	_ =	swait.ge [sflag:s13], $0xA00  }
0x4b: {  	p0 =	seq.s32 s1, $0x0;
	[sflag:s13] =	ssyncset.done $0x0  }
0x4c: {  	s12 =	simm.s32 @!p0 $0x2;
	[sflag:s13] =	ssyncadd.s32 $0xFFFFF600  }
0x4d: {  	_ =	swait.ge @!p0 [sflag:s12], $0xA000  }
0x4e: {  	[sflag:s12] =	ssyncset.done @!p0 $0x0  }
0x4f: {  	s23 =	simm.s32 $0x0;
	[sflag:s12] =	ssyncadd.s32 @!p0 $0xFFFF6000  }
0x50: {  	[tilespmem:s4], [sflag:$0x1] =	stream.indirect.gather [hbm4b:s7+s30], $0x10, s23, s30, $0xb8;
	[tilespmem:$0x1C580] =	vst v63  }
0x51: {  	_ = 	snop  }
0x52: {  	[tilespmem:s21], [sflag:$0x1] =	stream.indirect.gather [hbm4b:s7+s30], $0x10, s30, s30, $0xb8;
	[tilespmem:$0x1C580] =	vst v63  }
0x53: {  	s10 =	simm.s32 $0x3800  }
0x54: {  	[tilespmem:s10], [sflag:$0x1] =	stream.indirect.gather [hbm4b:s7+s30], $0x10, s3, s30, $0xb8;
	[tilespmem:$0x1C580] =	vst v63  }
0x55: {  	s11 =	simm.s32 $0x180;
	s13 =	simm.s32 $0x4000  }
0x56: {  	[tilespmem:s13], [sflag:$0x1] =	stream.indirect.gather [hbm4b:s7+s30], $0x10, s11, s30, $0xb8;
	[tilespmem:$0x1C580] =	vst v63  }
0x57: {  	s15 =	simm.s32 $0x200;
	s16 =	simm.s32 $0x4800  }
0x58: {  	[tilespmem:s16], [sflag:$0x1] =	stream.indirect.gather [hbm4b:s7+s30], $0x10, s15, s30, $0xb8;
	[tilespmem:$0x1C580] =	vst v63  }
0x59: {  	s22 =	simm.s32 $0x280;
	s17 =	simm.s32 $0x5000  }
0x5a: {  	[tilespmem:s17], [sflag:$0x1] =	stream.indirect.gather [hbm4b:s7+s30], $0x10, s22, s30, $0xb8;
	[tilespmem:$0x1C580] =	vst v63  }
0x5b: {  	s24 =	smov.u32 s29;
	s29 =	simm.s32 $0x300;
	s31 =	simm.s32 $0x5800  }
0x5c: {  	[tilespmem:s31], [sflag:$0x1] =	stream.indirect.gather [hbm4b:s7+s30], $0x10, s29, s30, $0xb8;
	[tilespmem:$0x1C580] =	vst v63  }
0x5d: {  	s18 =	simm.s32 $0x380;
	s29 =	simm.s32 $0x6000  }
0x5e: {  	[tilespmem:s29], [sflag:$0x1] =	stream.indirect.gather [hbm4b:s7+s30], $0x10, s18, s30, $0xb8;
	[tilespmem:$0x1C580] =	vst v63  }
0x5f: {  	s21 =	simm.s32 $0x400;
	s18 =	simm.s32 $0x6800  }
0x60: {  	[tilespmem:s18], [sflag:$0x1] =	stream.indirect.gather [hbm4b:s7+s30], $0x10, s21, s30, $0xb8;
	[tilespmem:$0x1C580] =	vst v63  }
0x61: {  	s22 =	simm.s32 $0x480;
	s21 =	simm.s32 $0x7000  }
0x62: {  	[tilespmem:s21], [sflag:$0x1] =	stream.indirect.gather [hbm4b:s7+s30], $0x10, s22, s30, $0xb8;
	[tilespmem:$0x1C580] =	vst v63  }
0x63: {  	s19 =	simm.s32 $0x500;
	s4 =	simm.s32 $0x7800  }
0x64: {  	[tilespmem:s4], [sflag:$0x1] =	stream.indirect.gather [hbm4b:s7+s30], $0x10, s19, s30, $0xb8;
	[tilespmem:$0x1C580] =	vst v63  }
0x65: {  	s5 =	simm.s32 $0x8000;
	s29 =	simm.s32 $0x580  }
0x66: {  	[tilespmem:s5], [sflag:$0x1] =	stream.indirect.gather [hbm4b:s7+s30], $0x10, s29, s30, $0xb8;
	[tilespmem:$0x1C580] =	vst v63  }
0x67: {  	s2 =	simm.s32 $0x8800;
	s17 =	simm.s32 $0x600  }
0x68: {  	[tilespmem:s2], [sflag:$0x1] =	stream.indirect.gather [hbm4b:s7+s30], $0x10, s17, s30, $0xb8;
	[tilespmem:$0x1C580] =	vst v63  }
0x69: {  	s0 =	simm.s32 $0x9000;
	s12 =	simm.s32 $0x680  }
0x6a: {  	[tilespmem:s0], [sflag:$0x1] =	stream.indirect.gather [hbm4b:s7+s30], $0x10, s12, s30, $0xb8;
	[tilespmem:$0x1C580] =	vst v63  }
0x6b: {  	s16 =	simm.s32 $0x9800;
	s18 =	simm.s32 $0x700  }
0x6c: {  	[tilespmem:s16], [sflag:$0x1] =	stream.indirect.gather [hbm4b:s7+s30], $0x10, s18, s30, $0xb8;
	[tilespmem:$0x1C580] =	vst v63  }
0x6d: {  	s26 =	simm.s32 $0xA000;
	s20 =	simm.s32 $0x880;
	s19 =	simm.s32 $0x780  }
0x6e: {  	[tilespmem:s26], [sflag:$0x1] =	stream.indirect.gather [hbm4b:s7+s30], $0x10, s19, s30, $0xb8;
	[tilespmem:$0x1C580] =	vst v63  }
0x6f: {  	s28 =	simm.s32 $0xB000;
	s21 =	simm.s32 $0xA800;
	s22 =	simm.s32 $0x800  }
0x70: {  	[tilespmem:s21], [sflag:$0x1] =	stream.indirect.gather [hbm4b:s7+s30], $0x10, s22, s30, $0xb8;
	[tilespmem:$0x1C580] =	vst v63  }
0x71: {  	s10 =	simm.s32 $0xB800;
	s26 =	rddreg [dreg:$0x12];
	s22 =	smul.u32 $0x1400, s1  }
0x72: {  	[tilespmem:s28], [sflag:$0x1] =	stream.indirect.gather [hbm4b:s7+s30], $0x10, s20, s30, $0xb8;
	[tilespmem:$0x1C580] =	vst v63  }
0x73: {  	s15 =	simm.s32 $0x900;
	s29 =	sld [smem:$0x7F0];
	s12 =	sadd.s32 s26, s22  }
0x74: {  	[tilespmem:s10], [sflag:$0x1] =	stream.indirect.gather [hbm4b:s7+s30], $0x10, s15, s30, $0xb8;
	[tilespmem:$0x1C580] =	vst v63  }
0x75: {  	s13 =	simm.s32 $0x980;
	s11 =	simm.s32 $0xC000;
	s21 =	sshrl.u32 s12, $0x3  }
0x76: {  	[tilespmem:s11], [sflag:$0x1] =	stream.indirect.gather [hbm4b:s7+s30], $0x10, s13, s30, $0xb8;
	[tilespmem:$0x1C580] =	vst v63  }
0x77: {  	s28 =	simm.s32 $0xA00;
	s31 =	sadd.s32 s29, s21  }
0x78: {  	[tilespmem:s28], [sflag:$0x6] =	stream.linear.gather [hbm4b:s31+s23], $0xA00, $0x38;
	[tilespmem:$0x1C580] =	vst v63  }
0x79: {  	s31 =	simm.s32 $0x0  }
0x7a: {  	v1 =	vld [tilespmem:s31+$0x0]  }
0x7b: {  	s23 =	simm.s32 $0x40  }
.LBB2_3:
0x7c: {  	p1 =	sne.s32 s23, $0x27C0  }
.Ltmp0:
0x7d: {  	_ = 	snop;
	(pc) =	sbr.rel @p1 .LBB2_3-.Ltmp0, $4  }
0x7e: {  	_ = 	snop  }
0x7f: {  	s29 =	sshra.s32 s23, $0x2;
	s23 =	sadd.s32 $0x40, s23;
	vm0 =	vne.s32 v1, $0x0  }
0x80: {  	v1 =	vld [tilespmem:s29+$0x0];
	v2 =	vsel vm0, $0x1, v0  }
0x81: {  	[tilespmem:s31+$0x1400] =	vst v2;
	s31 =	smov.u32 s29  }
0x82: {  	_ =	sdelay $0x1  }
0x83: {  	s3 =	sld [smem:$0x7F2]  }
0x84: {  	vm0 =	vne.s32 v1, $0x0  }
0x85: {  	v1 =	vsel vm0, $0x1, v0  }
0x86: {  	s0 =	simm.s32 $0x1400;
	s16 =	simm.s32 $0x7;
	s23 =	sadd.s32 s3, s21;
	[tilespmem:s31+$0x1400] =	vst v1  }
0x87: {  	[hbm4b:s23+s14] =	stream.linear.scatter [tilespmem:s0], [sflag:$0x7], $0xA00, $0x38;
	[tilespmem:$0x1C580] =	vst v63  }
0x88: {  	_ =	swait.ge [sflag:s16], $0xA00  }
0x89: {  	[sflag:s16] =	ssyncset.done $0x0  }
0x8a: {  	[sflag:s16] =	ssyncadd.s32 $0xFFFFF600  }
0x8b: {  	_ =	swait.ge [sflag:s6], $0x800  }
0x8c: {  	[sflag:s6] =	ssyncset.done $0x0  }
0x8d: {  	[sflag:s6] =	ssyncadd.s32 $0xFFFFF800  }
0x8e: {  	_ =	swait.ge [sflag:s6], $0x800  }
0x8f: {  	[sflag:s6] =	ssyncset.done $0x0  }
0x90: {  	[sflag:s6] =	ssyncadd.s32 $0xFFFFF800  }
0x91: {  	_ =	swait.ge [sflag:s6], $0x800  }
0x92: {  	[sflag:s6] =	ssyncset.done $0x0  }
0x93: {  	[sflag:s6] =	ssyncadd.s32 $0xFFFFF800  }
0x94: {  	_ =	swait.ge [sflag:s6], $0x800  }
0x95: {  	[sflag:s6] =	ssyncset.done $0x0  }
0x96: {  	[sflag:s6] =	ssyncadd.s32 $0xFFFFF800  }
0x97: {  	_ =	swait.ge [sflag:s6], $0x800  }
0x98: {  	[sflag:s6] =	ssyncset.done $0x0  }
0x99: {  	[sflag:s6] =	ssyncadd.s32 $0xFFFFF800  }
0x9a: {  	_ =	swait.ge [sflag:s6], $0x800  }
0x9b: {  	[sflag:s6] =	ssyncset.done $0x0  }
0x9c: {  	[sflag:s6] =	ssyncadd.s32 $0xFFFFF800  }
0x9d: {  	_ =	swait.ge [sflag:s6], $0x800  }
0x9e: {  	[sflag:s6] =	ssyncset.done $0x0  }
0x9f: {  	[sflag:s6] =	ssyncadd.s32 $0xFFFFF800  }
0xa0: {  	_ =	swait.ge [sflag:s6], $0x800  }
0xa1: {  	[sflag:s6] =	ssyncset.done $0x0  }
0xa2: {  	[sflag:s6] =	ssyncadd.s32 $0xFFFFF800  }
0xa3: {  	_ =	swait.ge [sflag:s6], $0x800  }
0xa4: {  	[sflag:s6] =	ssyncset.done $0x0  }
0xa5: {  	[sflag:s6] =	ssyncadd.s32 $0xFFFFF800  }
0xa6: {  	_ =	swait.ge [sflag:s6], $0x800  }
0xa7: {  	[sflag:s6] =	ssyncset.done $0x0  }
0xa8: {  	[sflag:s6] =	ssyncadd.s32 $0xFFFFF800  }
0xa9: {  	_ =	swait.ge [sflag:s6], $0x800  }
0xaa: {  	[sflag:s6] =	ssyncset.done $0x0  }
0xab: {  	[sflag:s6] =	ssyncadd.s32 $0xFFFFF800  }
0xac: {  	_ =	swait.ge [sflag:s6], $0x800  }
0xad: {  	[sflag:s6] =	ssyncset.done $0x0  }
0xae: {  	[sflag:s6] =	ssyncadd.s32 $0xFFFFF800  }
0xaf: {  	_ =	swait.ge [sflag:s6], $0x800  }
0xb0: {  	[sflag:s6] =	ssyncset.done $0x0  }
0xb1: {  	[sflag:s6] =	ssyncadd.s32 $0xFFFFF800  }
0xb2: {  	_ =	swait.ge [sflag:s6], $0x800  }
0xb3: {  	[sflag:s6] =	ssyncset.done $0x0  }
0xb4: {  	[sflag:s6] =	ssyncadd.s32 $0xFFFFF800  }
0xb5: {  	_ =	swait.ge [sflag:s6], $0x800  }
0xb6: {  	[sflag:s6] =	ssyncset.done $0x0  }
0xb7: {  	[sflag:s6] =	ssyncadd.s32 $0xFFFFF800  }
0xb8: {  	_ =	swait.ge [sflag:s6], $0x800  }
0xb9: {  	[sflag:s6] =	ssyncset.done $0x0  }
0xba: {  	[sflag:s6] =	ssyncadd.s32 $0xFFFFF800  }
0xbb: {  	_ =	swait.ge [sflag:s6], $0x800  }
0xbc: {  	[sflag:s6] =	ssyncset.done $0x0  }
0xbd: {  	[sflag:s6] =	ssyncadd.s32 $0xFFFFF800  }
0xbe: {  	_ =	swait.ge [sflag:s6], $0x800  }
0xbf: {  	[sflag:s6] =	ssyncset.done $0x0  }
0xc0: {  	[sflag:s6] =	ssyncadd.s32 $0xFFFFF800  }
0xc1: {  	_ =	swait.ge [sflag:s6], $0x800  }
0xc2: {  	[sflag:s6] =	ssyncset.done $0x0  }
0xc3: {  	[sflag:s6] =	ssyncadd.s32 $0xFFFFF800  }
0xc4: {  	s26 =	simm.s32 $0x10;
	s31 =	smul.u32 $0x6, s12;
	_ =	swait.ge [sflag:s6], $0x800  }
0xc5: {  	s29 =	simm.s32 $0x30;
	s14 =	simm.s32 $0x2800;
	[sflag:s6] =	ssyncset.done $0x0  }
0xc6: {  	s12 =	sadd.s32 s24, s31;
	s16 =	simm.s32 $0x6;
	[sflag:s6] =	ssyncadd.s32 $0xFFFFF800  }
0xc7: {  	[hbm4b:s12+s26] =	stream.strided.scatter [tilespmem:s14], [sflag:$0x2], $0xA000, s29, s26, $0x38;
	[tilespmem:$0x1C580] =	vst v63  }
0xc8: {  	_ =	swait.ge [sflag:s16], $0xA00  }
0xc9: {  	[sflag:s16] =	ssyncset.done $0x0  }
0xca: {  	s12 =	simm.s32 @!p0 $0x3;
	[sflag:s16] =	ssyncadd.s32 $0xFFFFF600  }
0xcb: {  	_ =	swait.ge @!p0 [sflag:s12], $0xA000  }
0xcc: {  	[sflag:s12] =	ssyncset.done @!p0 $0x0  }
0xcd: {  	s10 =	simm.s32 $0xA00;
	s24 =	simm.s32 $0xC800;
	[sflag:s12] =	ssyncadd.s32 @!p0 $0xFFFF6000  }
0xce: {  	[tilespmem:s24], [sflag:$0x1] =	stream.indirect.gather [hbm4b:s8+s30], $0x10, s10, s30, $0xb8;
	[tilespmem:$0x1C580] =	vst v63  }
0xcf: {  	s17 =	simm.s32 $0xA80;
	s19 =	simm.s32 $0xD000  }
0xd0: {  	[tilespmem:s19], [sflag:$0x1] =	stream.indirect.gather [hbm4b:s8+s30], $0x10, s17, s30, $0xb8;
	[tilespmem:$0x1C580] =	vst v63  }
0xd1: {  	s18 =	simm.s32 $0xB00;
	s15 =	simm.s32 $0xD800  }
0xd2: {  	[tilespmem:s15], [sflag:$0x1] =	stream.indirect.gather [hbm4b:s8+s30], $0x10, s18, s30, $0xb8;
	[tilespmem:$0x1C580] =	vst v63  }
0xd3: {  	s20 =	simm.s32 $0xB80;
	s11 =	simm.s32 $0xE000  }
0xd4: {  	[tilespmem:s11], [sflag:$0x1] =	stream.indirect.gather [hbm4b:s8+s30], $0x10, s20, s30, $0xb8;
	[tilespmem:$0x1C580] =	vst v63  }
0xd5: {  	s2 =	simm.s32 $0xE800;
	s23 =	simm.s32 $0xC00  }
0xd6: {  	[tilespmem:s2], [sflag:$0x1] =	stream.indirect.gather [hbm4b:s8+s30], $0x10, s23, s30, $0xb8;
	[tilespmem:$0x1C580] =	vst v63  }
0xd7: {  	s3 =	simm.s32 $0xC80;
	s18 =	simm.s32 $0xF000  }
0xd8: {  	[tilespmem:s18], [sflag:$0x1] =	stream.indirect.gather [hbm4b:s8+s30], $0x10, s3, s30, $0xb8;
	[tilespmem:$0x1C580] =	vst v63  }
0xd9: {  	s4 =	simm.s32 $0xD00;
	s20 =	simm.s32 $0xF800  }
0xda: {  	[tilespmem:s20], [sflag:$0x1] =	stream.indirect.gather [hbm4b:s8+s30], $0x10, s4, s30, $0xb8;
	[tilespmem:$0x1C580] =	vst v63  }
0xdb: {  	s5 =	simm.s32 $0xD80;
	s28 =	simm.s32 $0x10000  }
0xdc: {  	[tilespmem:s28], [sflag:$0x1] =	stream.indirect.gather [hbm4b:s8+s30], $0x10, s5, s30, $0xb8;
	[tilespmem:$0x1C580] =	vst v63  }
0xdd: {  	s13 =	simm.s32 $0x10800;
	s12 =	simm.s32 $0xE00  }
0xde: {  	[tilespmem:s13], [sflag:$0x1] =	stream.indirect.gather [hbm4b:s8+s30], $0x10, s12, s30, $0xb8;
	[tilespmem:$0x1C580] =	vst v63  }
0xdf: {  	s17 =	simm.s32 $0xE80;
	s23 =	simm.s32 $0x11000  }
0xe0: {  	[tilespmem:s23], [sflag:$0x1] =	stream.indirect.gather [hbm4b:s8+s30], $0x10, s17, s30, $0xb8;
	[tilespmem:$0x1C580] =	vst v63  }
0xe1: {  	s2 =	simm.s32 $0xF00;
	s3 =	simm.s32 $0x11800  }
0xe2: {  	[tilespmem:s3], [sflag:$0x1] =	stream.indirect.gather [hbm4b:s8+s30], $0x10, s2, s30, $0xb8;
	[tilespmem:$0x1C580] =	vst v63  }
0xe3: {  	s4 =	simm.s32 $0xF80;
	s5 =	simm.s32 $0x12000  }
0xe4: {  	[tilespmem:s5], [sflag:$0x1] =	stream.indirect.gather [hbm4b:s8+s30], $0x10, s4, s30, $0xb8;
	[tilespmem:$0x1C580] =	vst v63  }
0xe5: {  	s12 =	simm.s32 $0x1000;
	s13 =	simm.s32 $0x12800  }
0xe6: {  	[tilespmem:s13], [sflag:$0x1] =	stream.indirect.gather [hbm4b:s8+s30], $0x10, s12, s30, $0xb8;
	[tilespmem:$0x1C580] =	vst v63  }
0xe7: {  	s17 =	simm.s32 $0x1080;
	s23 =	simm.s32 $0x13000  }
0xe8: {  	[tilespmem:s23], [sflag:$0x1] =	stream.indirect.gather [hbm4b:s8+s30], $0x10, s17, s30, $0xb8;
	[tilespmem:$0x1C580] =	vst v63  }
0xe9: {  	s2 =	simm.s32 $0x1100;
	s3 =	simm.s32 $0x13800  }
0xea: {  	[tilespmem:s3], [sflag:$0x1] =	stream.indirect.gather [hbm4b:s8+s30], $0x10, s2, s30, $0xb8;
	[tilespmem:$0x1C580] =	vst v63  }
0xeb: {  	s4 =	simm.s32 $0x1180;
	s5 =	simm.s32 $0x14000  }
0xec: {  	[tilespmem:s5], [sflag:$0x1] =	stream.indirect.gather [hbm4b:s8+s30], $0x10, s4, s30, $0xb8;
	[tilespmem:$0x1C580] =	vst v63  }
0xed: {  	s12 =	simm.s32 $0x1200;
	s13 =	simm.s32 $0x14800  }
0xee: {  	[tilespmem:s13], [sflag:$0x1] =	stream.indirect.gather [hbm4b:s8+s30], $0x10, s12, s30, $0xb8;
	[tilespmem:$0x1C580] =	vst v63  }
0xef: {  	s17 =	simm.s32 $0x1280;
	s23 =	simm.s32 $0x15000  }
0xf0: {  	[tilespmem:s23], [sflag:$0x1] =	stream.indirect.gather [hbm4b:s8+s30], $0x10, s17, s30, $0xb8;
	[tilespmem:$0x1C580] =	vst v63  }
0xf1: {  	s3 =	simm.s32 $0x1300;
	s4 =	simm.s32 $0x15800;
	s13 =	sld [smem:$0x7F1]  }
0xf2: {  	[tilespmem:s4], [sflag:$0x1] =	stream.indirect.gather [hbm4b:s8+s30], $0x10, s3, s30, $0xb8;
	[tilespmem:$0x1C580] =	vst v63  }
0xf3: {  	s5 =	simm.s32 $0x1380;
	s12 =	simm.s32 $0x16000  }
0xf4: {  	[tilespmem:s12], [sflag:$0x1] =	stream.indirect.gather [hbm4b:s8+s30], $0x10, s5, s30, $0xb8;
	[tilespmem:$0x1C580] =	vst v63  }
0xf5: {  	s17 =	sadd.s32 s13, s21;
	s12 =	simm.s32 $0x0  }
0xf6: {  	[tilespmem:s12], [sflag:$0x5] =	stream.linear.gather [hbm4b:s17+s12], $0xA00, $0x38;
	[tilespmem:$0x1C580] =	vst v63  }
0xf7: {  	_ =	swait.ge [sflag:s6], $0x800  }
0xf8: {  	[sflag:s6] =	ssyncset.done $0x0  }
0xf9: {  	[sflag:s6] =	ssyncadd.s32 $0xFFFFF800  }
0xfa: {  	_ =	swait.ge [sflag:s6], $0x800  }
0xfb: {  	[sflag:s6] =	ssyncset.done $0x0  }
0xfc: {  	[sflag:s6] =	ssyncadd.s32 $0xFFFFF800  }
0xfd: {  	_ =	swait.ge [sflag:s6], $0x800  }
0xfe: {  	[sflag:s6] =	ssyncset.done $0x0  }
0xff: {  	[sflag:s6] =	ssyncadd.s32 $0xFFFFF800  }
0x100: {  	_ =	swait.ge [sflag:s6], $0x800  }
0x101: {  	[sflag:s6] =	ssyncset.done $0x0  }
0x102: {  	[sflag:s6] =	ssyncadd.s32 $0xFFFFF800  }
0x103: {  	_ =	swait.ge [sflag:s6], $0x800  }
0x104: {  	[sflag:s6] =	ssyncset.done $0x0  }
0x105: {  	[sflag:s6] =	ssyncadd.s32 $0xFFFFF800  }
0x106: {  	_ =	swait.ge [sflag:s6], $0x800  }
0x107: {  	[sflag:s6] =	ssyncset.done $0x0  }
0x108: {  	[sflag:s6] =	ssyncadd.s32 $0xFFFFF800  }
0x109: {  	_ =	swait.ge [sflag:s6], $0x800  }
0x10a: {  	[sflag:s6] =	ssyncset.done $0x0  }
0x10b: {  	[sflag:s6] =	ssyncadd.s32 $0xFFFFF800  }
0x10c: {  	_ =	swait.ge [sflag:s6], $0x800  }
0x10d: {  	[sflag:s6] =	ssyncset.done $0x0  }
0x10e: {  	[sflag:s6] =	ssyncadd.s32 $0xFFFFF800  }
0x10f: {  	_ =	swait.ge [sflag:s6], $0x800  }
0x110: {  	[sflag:s6] =	ssyncset.done $0x0  }
0x111: {  	[sflag:s6] =	ssyncadd.s32 $0xFFFFF800  }
0x112: {  	_ =	swait.ge [sflag:s6], $0x800  }
0x113: {  	[sflag:s6] =	ssyncset.done $0x0  }
0x114: {  	[sflag:s6] =	ssyncadd.s32 $0xFFFFF800  }
0x115: {  	_ =	swait.ge [sflag:s6], $0x800  }
0x116: {  	[sflag:s6] =	ssyncset.done $0x0  }
0x117: {  	[sflag:s6] =	ssyncadd.s32 $0xFFFFF800  }
0x118: {  	_ =	swait.ge [sflag:s6], $0x800  }
0x119: {  	[sflag:s6] =	ssyncset.done $0x0  }
0x11a: {  	[sflag:s6] =	ssyncadd.s32 $0xFFFFF800  }
0x11b: {  	_ =	swait.ge [sflag:s6], $0x800  }
0x11c: {  	[sflag:s6] =	ssyncset.done $0x0  }
0x11d: {  	[sflag:s6] =	ssyncadd.s32 $0xFFFFF800  }
0x11e: {  	_ =	swait.ge [sflag:s6], $0x800  }
0x11f: {  	[sflag:s6] =	ssyncset.done $0x0  }
0x120: {  	[sflag:s6] =	ssyncadd.s32 $0xFFFFF800  }
0x121: {  	_ =	swait.ge [sflag:s6], $0x800  }
0x122: {  	[sflag:s6] =	ssyncset.done $0x0  }
0x123: {  	[sflag:s6] =	ssyncadd.s32 $0xFFFFF800  }
0x124: {  	_ =	swait.ge [sflag:s6], $0x800  }
0x125: {  	[sflag:s6] =	ssyncset.done $0x0  }
0x126: {  	[sflag:s6] =	ssyncadd.s32 $0xFFFFF800  }
0x127: {  	_ =	swait.ge [sflag:s6], $0x800  }
0x128: {  	[sflag:s6] =	ssyncset.done $0x0  }
0x129: {  	[sflag:s6] =	ssyncadd.s32 $0xFFFFF800  }
0x12a: {  	_ =	swait.ge [sflag:s6], $0x800  }
0x12b: {  	[sflag:s6] =	ssyncset.done $0x0  }
0x12c: {  	[sflag:s6] =	ssyncadd.s32 $0xFFFFF800  }
0x12d: {  	_ =	swait.ge [sflag:s6], $0x800  }
0x12e: {  	[sflag:s6] =	ssyncset.done $0x0  }
0x12f: {  	[sflag:s6] =	ssyncadd.s32 $0xFFFFF800  }
0x130: {  	_ =	swait.ge [sflag:s6], $0x800  }
0x131: {  	s0 =	sld [smem:$0x7F7];
	_ =	sdelay $0x1  }
0x132: {  	[sflag:s6] =	ssyncset.done $0x0  }
0x133: {  	s13 =	simm.s32 $0x5;
	[sflag:s6] =	ssyncadd.s32 $0xFFFFF800;
	s2 =	sadd.s32 s31, s0  }
0x134: {  	[hbm4b:s2+s26] =	stream.strided.scatter [tilespmem:s24], [sflag:$0x3], $0xA000, s29, s26, $0x38;
	[tilespmem:$0x1C580] =	vst v63  }
0x135: {  	_ =	swait.ge [sflag:s13], $0xA00  }
0x136: {  	[sflag:s13] =	ssyncset.done $0x0  }
0x137: {  	s3 =	simm.s32 $0x2;
	[sflag:s13] =	ssyncadd.s32 $0xFFFFF600  }
0x138: {  	_ =	swait.ge [sflag:s3], $0xA000  }
0x139: {  	[sflag:s3] =	ssyncset.done $0x0  }
0x13a: {  	[sflag:s3] =	ssyncadd.s32 $0xFFFF6000  }
0x13b: {  	[tilespmem:s14], [sflag:$0x1] =	stream.indirect.gather [hbm4b:s9+s30], $0x10, s12, s30, $0xb8;
	[tilespmem:$0x1C580] =	vst v63  }
0x13c: {  	s4 =	simm.s32 $0x3000  }
0x13d: {  	[tilespmem:s4], [sflag:$0x1] =	stream.indirect.gather [hbm4b:s9+s30], $0x10, s30, s30, $0xb8;
	[tilespmem:$0x1C580] =	vst v63  }
0x13e: {  	s5 =	simm.s32 $0x3800;
	s4 =	simm.s32 $0x100  }
0x13f: {  	[tilespmem:s5], [sflag:$0x1] =	stream.indirect.gather [hbm4b:s9+s30], $0x10, s4, s30, $0xb8;
	[tilespmem:$0x1C580] =	vst v63  }
0x140: {  	s17 =	simm.s32 $0x4000;
	s5 =	simm.s32 $0x180  }
0x141: {  	[tilespmem:s17], [sflag:$0x1] =	stream.indirect.gather [hbm4b:s9+s30], $0x10, s5, s30, $0xb8;
	[tilespmem:$0x1C580] =	vst v63  }
0x142: {  	s23 =	simm.s32 $0x4800;
	s17 =	simm.s32 $0x200  }
0x143: {  	[tilespmem:s23], [sflag:$0x1] =	stream.indirect.gather [hbm4b:s9+s30], $0x10, s17, s30, $0xb8;
	[tilespmem:$0x1C580] =	vst v63  }
0x144: {  	s0 =	simm.s32 $0x5000;
	s2 =	simm.s32 $0x280  }
0x145: {  	[tilespmem:s0], [sflag:$0x1] =	stream.indirect.gather [hbm4b:s9+s30], $0x10, s2, s30, $0xb8;
	[tilespmem:$0x1C580] =	vst v63  }
0x146: {  	s3 =	simm.s32 $0x300;
	s5 =	simm.s32 $0x5800  }
0x147: {  	[tilespmem:s5], [sflag:$0x1] =	stream.indirect.gather [hbm4b:s9+s30], $0x10, s3, s30, $0xb8;
	[tilespmem:$0x1C580] =	vst v63  }
0x148: {  	s17 =	simm.s32 $0x6000;
	s23 =	simm.s32 $0x380  }
0x149: {  	[tilespmem:s17], [sflag:$0x1] =	stream.indirect.gather [hbm4b:s9+s30], $0x10, s23, s30, $0xb8;
	[tilespmem:$0x1C580] =	vst v63  }
0x14a: {  	s3 =	simm.s32 $0x6800;
	s5 =	simm.s32 $0x400  }
0x14b: {  	[tilespmem:s3], [sflag:$0x1] =	stream.indirect.gather [hbm4b:s9+s30], $0x10, s5, s30, $0xb8;
	[tilespmem:$0x1C580] =	vst v63  }
0x14c: {  	s17 =	simm.s32 $0x7000;
	s23 =	simm.s32 $0x480  }
0x14d: {  	[tilespmem:s17], [sflag:$0x1] =	stream.indirect.gather [hbm4b:s9+s30], $0x10, s23, s30, $0xb8;
	[tilespmem:$0x1C580] =	vst v63  }
0x14e: {  	s3 =	simm.s32 $0x500;
	s5 =	simm.s32 $0x7800  }
0x14f: {  	[tilespmem:s5], [sflag:$0x1] =	stream.indirect.gather [hbm4b:s9+s30], $0x10, s3, s30, $0xb8;
	[tilespmem:$0x1C580] =	vst v63  }
0x150: {  	s17 =	simm.s32 $0x580;
	s23 =	simm.s32 $0x8000  }
0x151: {  	[tilespmem:s23], [sflag:$0x1] =	stream.indirect.gather [hbm4b:s9+s30], $0x10, s17, s30, $0xb8;
	[tilespmem:$0x1C580] =	vst v63  }
0x152: {  	s0 =	simm.s32 $0x600;
	s3 =	simm.s32 $0x8800  }
0x153: {  	[tilespmem:s3], [sflag:$0x1] =	stream.indirect.gather [hbm4b:s9+s30], $0x10, s0, s30, $0xb8;
	[tilespmem:$0x1C580] =	vst v63  }
0x154: {  	s5 =	simm.s32 $0x680;
	s17 =	simm.s32 $0x9000  }
0x155: {  	[tilespmem:s17], [sflag:$0x1] =	stream.indirect.gather [hbm4b:s9+s30], $0x10, s5, s30, $0xb8;
	[tilespmem:$0x1C580] =	vst v63  }
0x156: {  	s23 =	simm.s32 $0x9800;
	s17 =	simm.s32 $0x700  }
0x157: {  	[tilespmem:s23], [sflag:$0x1] =	stream.indirect.gather [hbm4b:s9+s30], $0x10, s17, s30, $0xb8;
	[tilespmem:$0x1C580] =	vst v63  }
0x158: {  	s0 =	simm.s32 $0x780;
	s3 =	simm.s32 $0xA000  }
0x159: {  	[tilespmem:s3], [sflag:$0x1] =	stream.indirect.gather [hbm4b:s9+s30], $0x10, s0, s30, $0xb8;
	[tilespmem:$0x1C580] =	vst v63  }
0x15a: {  	s5 =	simm.s32 $0xA800;
	s23 =	simm.s32 $0x800  }
0x15b: {  	[tilespmem:s5], [sflag:$0x1] =	stream.indirect.gather [hbm4b:s9+s30], $0x10, s23, s30, $0xb8;
	[tilespmem:$0x1C580] =	vst v63  }
0x15c: {  	s2 =	simm.s32 $0x880;
	s3 =	simm.s32 $0xB000  }
0x15d: {  	[tilespmem:s3], [sflag:$0x1] =	stream.indirect.gather [hbm4b:s9+s30], $0x10, s2, s30, $0xb8;
	[tilespmem:$0x1C580] =	vst v63  }
0x15e: {  	s5 =	simm.s32 $0x900;
	s23 =	simm.s32 $0xB800  }
0x15f: {  	[tilespmem:s23], [sflag:$0x1] =	stream.indirect.gather [hbm4b:s9+s30], $0x10, s5, s30, $0xb8;
	[tilespmem:$0x1C580] =	vst v63  }
0x160: {  	s2 =	simm.s32 $0x980;
	s3 =	simm.s32 $0xC000;
	s5 =	sadd.s32 s25, s21  }
0x161: {  	[tilespmem:s3], [sflag:$0x1] =	stream.indirect.gather [hbm4b:s9+s30], $0x10, s2, s30, $0xb8;
	[tilespmem:$0x1C580] =	vst v63  }
0x162: {  	s21 =	sadd.s32 $0x140, s5  }
0x163: {  	[tilespmem:s10], [sflag:$0x6] =	stream.linear.gather [hbm4b:s21+s12], $0xA00, $0x38;
	[tilespmem:$0x1C580] =	vst v63  }
0x164: {  	_ =	swait.ge [sflag:s6], $0x800  }
0x165: {  	[sflag:s6] =	ssyncset.done $0x0  }
0x166: {  	[sflag:s6] =	ssyncadd.s32 $0xFFFFF800  }
0x167: {  	_ =	swait.ge [sflag:s6], $0x800  }
0x168: {  	[sflag:s6] =	ssyncset.done $0x0  }
0x169: {  	[sflag:s6] =	ssyncadd.s32 $0xFFFFF800  }
0x16a: {  	_ =	swait.ge [sflag:s6], $0x800  }
0x16b: {  	[sflag:s6] =	ssyncset.done $0x0  }
0x16c: {  	[sflag:s6] =	ssyncadd.s32 $0xFFFFF800  }
0x16d: {  	_ =	swait.ge [sflag:s6], $0x800  }
0x16e: {  	[sflag:s6] =	ssyncset.done $0x0  }
0x16f: {  	[sflag:s6] =	ssyncadd.s32 $0xFFFFF800  }
0x170: {  	_ =	swait.ge [sflag:s6], $0x800  }
0x171: {  	[sflag:s6] =	ssyncset.done $0x0  }
0x172: {  	[sflag:s6] =	ssyncadd.s32 $0xFFFFF800  }
0x173: {  	_ =	swait.ge [sflag:s6], $0x800  }
0x174: {  	[sflag:s6] =	ssyncset.done $0x0  }
0x175: {  	[sflag:s6] =	ssyncadd.s32 $0xFFFFF800  }
0x176: {  	_ =	swait.ge [sflag:s6], $0x800  }
0x177: {  	[sflag:s6] =	ssyncset.done $0x0  }
0x178: {  	[sflag:s6] =	ssyncadd.s32 $0xFFFFF800  }
0x179: {  	_ =	swait.ge [sflag:s6], $0x800  }
0x17a: {  	[sflag:s6] =	ssyncset.done $0x0  }
0x17b: {  	[sflag:s6] =	ssyncadd.s32 $0xFFFFF800  }
0x17c: {  	_ =	swait.ge [sflag:s6], $0x800  }
0x17d: {  	[sflag:s6] =	ssyncset.done $0x0  }
0x17e: {  	[sflag:s6] =	ssyncadd.s32 $0xFFFFF800  }
0x17f: {  	_ =	swait.ge [sflag:s6], $0x800  }
0x180: {  	[sflag:s6] =	ssyncset.done $0x0  }
0x181: {  	[sflag:s6] =	ssyncadd.s32 $0xFFFFF800  }
0x182: {  	_ =	swait.ge [sflag:s6], $0x800  }
0x183: {  	[sflag:s6] =	ssyncset.done $0x0  }
0x184: {  	[sflag:s6] =	ssyncadd.s32 $0xFFFFF800  }
0x185: {  	_ =	swait.ge [sflag:s6], $0x800  }
0x186: {  	[sflag:s6] =	ssyncset.done $0x0  }
0x187: {  	[sflag:s6] =	ssyncadd.s32 $0xFFFFF800  }
0x188: {  	_ =	swait.ge [sflag:s6], $0x800  }
0x189: {  	[sflag:s6] =	ssyncset.done $0x0  }
0x18a: {  	[sflag:s6] =	ssyncadd.s32 $0xFFFFF800  }
0x18b: {  	_ =	swait.ge [sflag:s6], $0x800  }
0x18c: {  	[sflag:s6] =	ssyncset.done $0x0  }
0x18d: {  	[sflag:s6] =	ssyncadd.s32 $0xFFFFF800  }
0x18e: {  	_ =	swait.ge [sflag:s6], $0x800  }
0x18f: {  	[sflag:s6] =	ssyncset.done $0x0  }
0x190: {  	[sflag:s6] =	ssyncadd.s32 $0xFFFFF800  }
0x191: {  	_ =	swait.ge [sflag:s6], $0x800  }
0x192: {  	[sflag:s6] =	ssyncset.done $0x0  }
0x193: {  	[sflag:s6] =	ssyncadd.s32 $0xFFFFF800  }
0x194: {  	_ =	swait.ge [sflag:s6], $0x800  }
0x195: {  	[sflag:s6] =	ssyncset.done $0x0  }
0x196: {  	[sflag:s6] =	ssyncadd.s32 $0xFFFFF800  }
0x197: {  	_ =	swait.ge [sflag:s6], $0x800  }
0x198: {  	[sflag:s6] =	ssyncset.done $0x0  }
0x199: {  	[sflag:s6] =	ssyncadd.s32 $0xFFFFF800  }
0x19a: {  	_ =	swait.ge [sflag:s6], $0x800  }
0x19b: {  	[sflag:s6] =	ssyncset.done $0x0  }
0x19c: {  	[sflag:s6] =	ssyncadd.s32 $0xFFFFF800  }
0x19d: {  	_ =	swait.ge [sflag:s6], $0x800  }
0x19e: {  	s5 =	sld [smem:$0x7FD];
	_ =	sdelay $0x1  }
0x19f: {  	[sflag:s6] =	ssyncset.done $0x0  }
0x1a0: {  	[sflag:s6] =	ssyncadd.s32 $0xFFFFF800;
	s23 =	sadd.s32 s31, s5  }
0x1a1: {  	[hbm4b:s23+s26] =	stream.strided.scatter [tilespmem:s14], [sflag:$0x2], $0xA000, s29, s26, $0x38;
	[tilespmem:$0x1C580] =	vst v63  }
0x1a2: {  	_ =	swait.ge [sflag:s16], $0xA00  }
0x1a3: {  	[sflag:s16] =	ssyncset.done $0x0  }
0x1a4: {  	s29 =	simm.s32 $0x3;
	[sflag:s16] =	ssyncadd.s32 $0xFFFFF600  }
0x1a5: {  	_ =	swait.ge [sflag:s29], $0xA000  }
0x1a6: {  	[sflag:s29] =	ssyncset.done $0x0  }
0x1a7: {  	[sflag:s29] =	ssyncadd.s32 $0xFFFF6000  }
0x1a8: {  	[tilespmem:s24], [sflag:$0x1] =	stream.indirect.gather [hbm4b:s7+s30], $0x10, s10, s30, $0xb8;
	[tilespmem:$0x1C580] =	vst v63  }
0x1a9: {  	s2 =	simm.s32 $0xA80  }
0x1aa: {  	[tilespmem:s19], [sflag:$0x1] =	stream.indirect.gather [hbm4b:s7+s30], $0x10, s2, s30, $0xb8;
	[tilespmem:$0x1C580] =	vst v63  }
0x1ab: {  	s3 =	simm.s32 $0xB00  }
0x1ac: {  	[tilespmem:s15], [sflag:$0x1] =	stream.indirect.gather [hbm4b:s7+s30], $0x10, s3, s30, $0xb8;
	[tilespmem:$0x1C580] =	vst v63  }
0x1ad: {  	s10 =	simm.s32 $0xB80  }
0x1ae: {  	[tilespmem:s11], [sflag:$0x1] =	stream.indirect.gather [hbm4b:s7+s30], $0x10, s10, s30, $0xb8;
	[tilespmem:$0x1C580] =	vst v63  }
0x1af: {  	s14 =	simm.s32 $0xE800;
	s11 =	simm.s32 $0xC00  }
0x1b0: {  	[tilespmem:s14], [sflag:$0x1] =	stream.indirect.gather [hbm4b:s7+s30], $0x10, s11, s30, $0xb8;
	[tilespmem:$0x1C580] =	vst v63  }
0x1b1: {  	s16 =	simm.s32 $0xC80  }
0x1b2: {  	[tilespmem:s18], [sflag:$0x1] =	stream.indirect.gather [hbm4b:s7+s30], $0x10, s16, s30, $0xb8;
	[tilespmem:$0x1C580] =	vst v63  }
0x1b3: {  	s18 =	simm.s32 $0xD00  }
0x1b4: {  	[tilespmem:s20], [sflag:$0x1] =	stream.indirect.gather [hbm4b:s7+s30], $0x10, s18, s30, $0xb8;
	[tilespmem:$0x1C580] =	vst v63  }
0x1b5: {  	s20 =	simm.s32 $0xD80  }
0x1b6: {  	[tilespmem:s28], [sflag:$0x1] =	stream.indirect.gather [hbm4b:s7+s30], $0x10, s20, s30, $0xb8;
	[tilespmem:$0x1C580] =	vst v63  }
0x1b7: {  	s21 =	simm.s32 $0xE00;
	s23 =	simm.s32 $0x10800  }
0x1b8: {  	[tilespmem:s23], [sflag:$0x1] =	stream.indirect.gather [hbm4b:s7+s30], $0x10, s21, s30, $0xb8;
	[tilespmem:$0x1C580] =	vst v63  }
0x1b9: {  	s26 =	simm.s32 $0xE80;
	s29 =	simm.s32 $0x11000  }
0x1ba: {  	[tilespmem:s29], [sflag:$0x1] =	stream.indirect.gather [hbm4b:s7+s30], $0x10, s26, s30, $0xb8;
	[tilespmem:$0x1C580] =	vst v63  }
0x1bb: {  	s2 =	simm.s32 $0xF00;
	s3 =	simm.s32 $0x11800  }
0x1bc: {  	[tilespmem:s3], [sflag:$0x1] =	stream.indirect.gather [hbm4b:s7+s30], $0x10, s2, s30, $0xb8;
	[tilespmem:$0x1C580] =	vst v63  }
0x1bd: {  	s14 =	simm.s32 $0xF80;
	s16 =	simm.s32 $0x12000  }
0x1be: {  	[tilespmem:s16], [sflag:$0x1] =	stream.indirect.gather [hbm4b:s7+s30], $0x10, s14, s30, $0xb8;
	[tilespmem:$0x1C580] =	vst v63  }
0x1bf: {  	s21 =	simm.s32 $0x1000;
	s23 =	simm.s32 $0x12800  }
0x1c0: {  	[tilespmem:s23], [sflag:$0x1] =	stream.indirect.gather [hbm4b:s7+s30], $0x10, s21, s30, $0xb8;
	[tilespmem:$0x1C580] =	vst v63  }
0x1c1: {  	s26 =	simm.s32 $0x1080;
	s29 =	simm.s32 $0x13000  }
0x1c2: {  	[tilespmem:s29], [sflag:$0x1] =	stream.indirect.gather [hbm4b:s7+s30], $0x10, s26, s30, $0xb8;
	[tilespmem:$0x1C580] =	vst v63  }
0x1c3: {  	s2 =	simm.s32 $0x1100;
	s3 =	simm.s32 $0x13800  }
0x1c4: {  	[tilespmem:s3], [sflag:$0x1] =	stream.indirect.gather [hbm4b:s7+s30], $0x10, s2, s30, $0xb8;
	[tilespmem:$0x1C580] =	vst v63  }
0x1c5: {  	s14 =	simm.s32 $0x1180;
	s16 =	simm.s32 $0x14000  }
0x1c6: {  	[tilespmem:s16], [sflag:$0x1] =	stream.indirect.gather [hbm4b:s7+s30], $0x10, s14, s30, $0xb8;
	[tilespmem:$0x1C580] =	vst v63  }
0x1c7: {  	s21 =	simm.s32 $0x1200;
	s23 =	simm.s32 $0x14800  }
0x1c8: {  	[tilespmem:s23], [sflag:$0x1] =	stream.indirect.gather [hbm4b:s7+s30], $0x10, s21, s30, $0xb8;
	[tilespmem:$0x1C580] =	vst v63  }
0x1c9: {  	s26 =	simm.s32 $0x1280;
	s29 =	simm.s32 $0x15000  }
0x1ca: {  	[tilespmem:s29], [sflag:$0x1] =	stream.indirect.gather [hbm4b:s7+s30], $0x10, s26, s30, $0xb8;
	[tilespmem:$0x1C580] =	vst v63  }
0x1cb: {  	s3 =	simm.s32 $0x1300;
	s14 =	simm.s32 $0x15800;
	s23 =	sld [smem:$0x7F8]  }
0x1cc: {  	[tilespmem:s14], [sflag:$0x1] =	stream.indirect.gather [hbm4b:s7+s30], $0x10, s3, s30, $0xb8;
	[tilespmem:$0x1C580] =	vst v63  }
0x1cd: {  	s16 =	simm.s32 $0x1380;
	s21 =	simm.s32 $0x16000;
	s26 =	sld [smem:$0x7F0]  }
0x1ce: {  	[tilespmem:s21], [sflag:$0x1] =	stream.indirect.gather [hbm4b:s7+s30], $0x10, s16, s30, $0xb8;
	[tilespmem:$0x1C580] =	vst v63  }
0x1cf: {  	s21 =	sadd.s32 s22, s23  }
0x1d0: {  	s31 =	sshrl.u32 s21, $0x3  }
0x1d1: {  	s4 =	simm.s32 $0x3800;
	s24 =	simm.s32 $0xD000;
	s29 =	sadd.s32 s26, s31  }
0x1d2: {  	[tilespmem:s12], [sflag:$0x5] =	stream.linear.gather [hbm4b:s29+s12], $0xA00, $0x38;
	[tilespmem:$0x1C580] =	vst v63  }
0x1d3: {  	s19 =	simm.s32 $0xD800;
	s15 =	simm.s32 $0xE000;
	s12 =	simm.s32 $0x0  }
0x1d4: {  	s10 =	simm.s32 $0xF000;
	s11 =	simm.s32 $0xF800;
	s18 =	simm.s32 $0x10000;
	v1 =	vld [tilespmem:s12+$0xA00]  }
0x1d5: {  	s28 =	simm.s32 $0xE00;
	s20 =	simm.s32 $0x10800;
	s22 =	simm.s32 $0x40  }
.LBB2_5:
0x1d6: {  	p0 =	sne.s32 s22, $0x27C0  }
.Ltmp1:
0x1d7: {  	_ = 	snop;
	(pc) =	sbr.rel @p0 .LBB2_5-.Ltmp1, $4  }
0x1d8: {  	_ = 	snop  }
0x1d9: {  	s23 =	sshra.s32 s22, $0x2;
	s22 =	sadd.s32 $0x40, s22;
	vm0 =	vne.s32 v1, $0x0  }
0x1da: {  	v1 =	vld [tilespmem:s23+$0xA00];
	v2 =	vsel vm0, $0x1, v0  }
0x1db: {  	[tilespmem:s12+$0x1E00] =	vst v2;
	s12 =	smov.u32 s23  }
0x1dc: {  	_ =	sdelay $0x1  }
0x1dd: {  	s3 =	sld [smem:$0x7F2]  }
0x1de: {  	vm0 =	vne.s32 v1, $0x0  }
0x1df: {  	s2 =	simm.s32 $0x0;
	v1 =	vsel vm0, $0x1, v0  }
0x1e0: {  	s0 =	simm.s32 $0x1E00;
	s26 =	simm.s32 $0x7;
	s23 =	sadd.s32 s3, s31;
	[tilespmem:s12+$0x1E00] =	vst v1  }
0x1e1: {  	[hbm4b:s23+s2] =	stream.linear.scatter [tilespmem:s0], [sflag:$0x7], $0xA00, $0x38;
	[tilespmem:$0x1C580] =	vst v63  }
0x1e2: {  	_ =	swait.ge [sflag:s26], $0xA00  }
0x1e3: {  	[sflag:s26] =	ssyncset.done $0x0  }
0x1e4: {  	[sflag:s26] =	ssyncadd.s32 $0xFFFFF600  }
0x1e5: {  	_ =	swait.ge [sflag:s6], $0x800  }
0x1e6: {  	[sflag:s6] =	ssyncset.done $0x0  }
0x1e7: {  	[sflag:s6] =	ssyncadd.s32 $0xFFFFF800  }
0x1e8: {  	_ =	swait.ge [sflag:s6], $0x800  }
0x1e9: {  	[sflag:s6] =	ssyncset.done $0x0  }
0x1ea: {  	[sflag:s6] =	ssyncadd.s32 $0xFFFFF800  }
0x1eb: {  	_ =	swait.ge [sflag:s6], $0x800  }
0x1ec: {  	[sflag:s6] =	ssyncset.done $0x0  }
0x1ed: {  	[sflag:s6] =	ssyncadd.s32 $0xFFFFF800  }
0x1ee: {  	_ =	swait.ge [sflag:s6], $0x800  }
0x1ef: {  	[sflag:s6] =	ssyncset.done $0x0  }
0x1f0: {  	[sflag:s6] =	ssyncadd.s32 $0xFFFFF800  }
0x1f1: {  	_ =	swait.ge [sflag:s6], $0x800  }
0x1f2: {  	[sflag:s6] =	ssyncset.done $0x0  }
0x1f3: {  	[sflag:s6] =	ssyncadd.s32 $0xFFFFF800  }
0x1f4: {  	_ =	swait.ge [sflag:s6], $0x800  }
0x1f5: {  	[sflag:s6] =	ssyncset.done $0x0  }
0x1f6: {  	[sflag:s6] =	ssyncadd.s32 $0xFFFFF800  }
0x1f7: {  	_ =	swait.ge [sflag:s6], $0x800  }
0x1f8: {  	[sflag:s6] =	ssyncset.done $0x0  }
0x1f9: {  	[sflag:s6] =	ssyncadd.s32 $0xFFFFF800  }
0x1fa: {  	_ =	swait.ge [sflag:s6], $0x800  }
0x1fb: {  	[sflag:s6] =	ssyncset.done $0x0  }
0x1fc: {  	[sflag:s6] =	ssyncadd.s32 $0xFFFFF800  }
0x1fd: {  	_ =	swait.ge [sflag:s6], $0x800  }
0x1fe: {  	[sflag:s6] =	ssyncset.done $0x0  }
0x1ff: {  	[sflag:s6] =	ssyncadd.s32 $0xFFFFF800  }
0x200: {  	_ =	swait.ge [sflag:s6], $0x800  }
0x201: {  	[sflag:s6] =	ssyncset.done $0x0  }
0x202: {  	[sflag:s6] =	ssyncadd.s32 $0xFFFFF800  }
0x203: {  	_ =	swait.ge [sflag:s6], $0x800  }
0x204: {  	[sflag:s6] =	ssyncset.done $0x0  }
0x205: {  	[sflag:s6] =	ssyncadd.s32 $0xFFFFF800  }
0x206: {  	_ =	swait.ge [sflag:s6], $0x800  }
0x207: {  	[sflag:s6] =	ssyncset.done $0x0  }
0x208: {  	[sflag:s6] =	ssyncadd.s32 $0xFFFFF800  }
0x209: {  	_ =	swait.ge [sflag:s6], $0x800  }
0x20a: {  	[sflag:s6] =	ssyncset.done $0x0  }
0x20b: {  	[sflag:s6] =	ssyncadd.s32 $0xFFFFF800  }
0x20c: {  	_ =	swait.ge [sflag:s6], $0x800  }
0x20d: {  	[sflag:s6] =	ssyncset.done $0x0  }
0x20e: {  	[sflag:s6] =	ssyncadd.s32 $0xFFFFF800  }
0x20f: {  	_ =	swait.ge [sflag:s6], $0x800  }
0x210: {  	[sflag:s6] =	ssyncset.done $0x0  }
0x211: {  	[sflag:s6] =	ssyncadd.s32 $0xFFFFF800  }
0x212: {  	_ =	swait.ge [sflag:s6], $0x800  }
0x213: {  	[sflag:s6] =	ssyncset.done $0x0  }
0x214: {  	[sflag:s6] =	ssyncadd.s32 $0xFFFFF800  }
0x215: {  	_ =	swait.ge [sflag:s6], $0x800  }
0x216: {  	[sflag:s6] =	ssyncset.done $0x0  }
0x217: {  	[sflag:s6] =	ssyncadd.s32 $0xFFFFF800  }
0x218: {  	_ =	swait.ge [sflag:s6], $0x800  }
0x219: {  	[sflag:s6] =	ssyncset.done $0x0  }
0x21a: {  	[sflag:s6] =	ssyncadd.s32 $0xFFFFF800  }
0x21b: {  	_ =	swait.ge [sflag:s6], $0x800  }
0x21c: {  	[sflag:s6] =	ssyncset.done $0x0  }
0x21d: {  	[sflag:s6] =	ssyncadd.s32 $0xFFFFF800  }
0x21e: {  	_ =	swait.ge [sflag:s6], $0x800  }
0x21f: {  	[sflag:s6] =	ssyncset.done $0x0  }
0x220: {  	s22 =	smul.u32 $0x6, s21;
	[sflag:s6] =	ssyncadd.s32 $0xFFFFF800  }
0x221: {  	s16 =	simm.s32 $0xC800;
	s29 =	rddreg [dreg:$0x4]  }
0x222: {  	s23 =	simm.s32 $0x10;
	s26 =	simm.s32 $0x30;
	s3 =	sadd.s32 s29, s22  }
0x223: {  	[hbm4b:s3+s23] =	stream.strided.scatter [tilespmem:s16], [sflag:$0x3], $0xA000, s26, s23, $0x38;
	[tilespmem:$0x1C580] =	vst v63  }
0x224: {  	_ =	swait.ge [sflag:s13], $0xA00  }
0x225: {  	[sflag:s13] =	ssyncset.done $0x0  }
0x226: {  	s14 =	simm.s32 $0x2;
	[sflag:s13] =	ssyncadd.s32 $0xFFFFF600  }
0x227: {  	_ =	swait.ge [sflag:s14], $0xA000  }
0x228: {  	[sflag:s14] =	ssyncset.done $0x0  }
0x229: {  	s0 =	simm.s32 $0x2800;
	[sflag:s14] =	ssyncadd.s32 $0xFFFF6000  }
0x22a: {  	[tilespmem:s0], [sflag:$0x1] =	stream.indirect.gather [hbm4b:s8+s30], $0x10, s2, s30, $0xb8;
	[tilespmem:$0x1C580] =	vst v63  }
0x22b: {  	s3 =	simm.s32 $0x3000  }
0x22c: {  	[tilespmem:s3], [sflag:$0x1] =	stream.indirect.gather [hbm4b:s8+s30], $0x10, s30, s30, $0xb8;
	[tilespmem:$0x1C580] =	vst v63  }
0x22d: {  	s3 =	simm.s32 $0x100  }
0x22e: {  	[tilespmem:s4], [sflag:$0x1] =	stream.indirect.gather [hbm4b:s8+s30], $0x10, s3, s30, $0xb8;
	[tilespmem:$0x1C580] =	vst v63  }
0x22f: {  	s12 =	simm.s32 $0x180;
	s14 =	simm.s32 $0x4000  }
0x230: {  	[tilespmem:s14], [sflag:$0x1] =	stream.indirect.gather [hbm4b:s8+s30], $0x10, s12, s30, $0xb8;
	[tilespmem:$0x1C580] =	vst v63  }
0x231: {  	s12 =	simm.s32 $0x200;
	s14 =	simm.s32 $0x4800  }
0x232: {  	[tilespmem:s14], [sflag:$0x1] =	stream.indirect.gather [hbm4b:s8+s30], $0x10, s12, s30, $0xb8;
	[tilespmem:$0x1C580] =	vst v63  }
0x233: {  	s12 =	simm.s32 $0x280;
	s14 =	simm.s32 $0x5000  }
0x234: {  	[tilespmem:s14], [sflag:$0x1] =	stream.indirect.gather [hbm4b:s8+s30], $0x10, s12, s30, $0xb8;
	[tilespmem:$0x1C580] =	vst v63  }
0x235: {  	s12 =	simm.s32 $0x300;
	s14 =	simm.s32 $0x5800  }
0x236: {  	[tilespmem:s14], [sflag:$0x1] =	stream.indirect.gather [hbm4b:s8+s30], $0x10, s12, s30, $0xb8;
	[tilespmem:$0x1C580] =	vst v63  }
0x237: {  	s12 =	simm.s32 $0x380;
	s14 =	simm.s32 $0x6000  }
0x238: {  	[tilespmem:s14], [sflag:$0x1] =	stream.indirect.gather [hbm4b:s8+s30], $0x10, s12, s30, $0xb8;
	[tilespmem:$0x1C580] =	vst v63  }
0x239: {  	s12 =	simm.s32 $0x400;
	s14 =	simm.s32 $0x6800  }
0x23a: {  	[tilespmem:s14], [sflag:$0x1] =	stream.indirect.gather [hbm4b:s8+s30], $0x10, s12, s30, $0xb8;
	[tilespmem:$0x1C580] =	vst v63  }
0x23b: {  	s12 =	simm.s32 $0x480;
	s14 =	simm.s32 $0x7000  }
0x23c: {  	[tilespmem:s14], [sflag:$0x1] =	stream.indirect.gather [hbm4b:s8+s30], $0x10, s12, s30, $0xb8;
	[tilespmem:$0x1C580] =	vst v63  }
0x23d: {  	s12 =	simm.s32 $0x500;
	s14 =	simm.s32 $0x7800  }
0x23e: {  	[tilespmem:s14], [sflag:$0x1] =	stream.indirect.gather [hbm4b:s8+s30], $0x10, s12, s30, $0xb8;
	[tilespmem:$0x1C580] =	vst v63  }
0x23f: {  	s12 =	simm.s32 $0x8000;
	s14 =	simm.s32 $0x580  }
0x240: {  	[tilespmem:s12], [sflag:$0x1] =	stream.indirect.gather [hbm4b:s8+s30], $0x10, s14, s30, $0xb8;
	[tilespmem:$0x1C580] =	vst v63  }
0x241: {  	s12 =	simm.s32 $0x8800;
	s14 =	simm.s32 $0x600  }
0x242: {  	[tilespmem:s12], [sflag:$0x1] =	stream.indirect.gather [hbm4b:s8+s30], $0x10, s14, s30, $0xb8;
	[tilespmem:$0x1C580] =	vst v63  }
0x243: {  	s12 =	simm.s32 $0x9000;
	s14 =	simm.s32 $0x680  }
0x244: {  	[tilespmem:s12], [sflag:$0x1] =	stream.indirect.gather [hbm4b:s8+s30], $0x10, s14, s30, $0xb8;
	[tilespmem:$0x1C580] =	vst v63  }
0x245: {  	s12 =	simm.s32 $0x9800  }
0x246: {  	[tilespmem:s12], [sflag:$0x1] =	stream.indirect.gather [hbm4b:s8+s30], $0x10, s17, s30, $0xb8;
	[tilespmem:$0x1C580] =	vst v63  }
0x247: {  	s14 =	simm.s32 $0xA000;
	s17 =	simm.s32 $0x780  }
0x248: {  	[tilespmem:s14], [sflag:$0x1] =	stream.indirect.gather [hbm4b:s8+s30], $0x10, s17, s30, $0xb8;
	[tilespmem:$0x1C580] =	vst v63  }
0x249: {  	s4 =	simm.s32 $0x800;
	s12 =	simm.s32 $0xA800  }
0x24a: {  	[tilespmem:s12], [sflag:$0x1] =	stream.indirect.gather [hbm4b:s8+s30], $0x10, s4, s30, $0xb8;
	[tilespmem:$0x1C580] =	vst v63  }
0x24b: {  	s14 =	simm.s32 $0x880;
	s17 =	simm.s32 $0xB000  }
0x24c: {  	[tilespmem:s17], [sflag:$0x1] =	stream.indirect.gather [hbm4b:s8+s30], $0x10, s14, s30, $0xb8;
	[tilespmem:$0x1C580] =	vst v63  }
0x24d: {  	s0 =	sld [smem:$0x7F1];
	s4 =	simm.s32 $0x900;
	s12 =	simm.s32 $0xB800  }
0x24e: {  	[tilespmem:s12], [sflag:$0x1] =	stream.indirect.gather [hbm4b:s8+s30], $0x10, s4, s30, $0xb8;
	[tilespmem:$0x1C580] =	vst v63  }
0x24f: {  	s14 =	simm.s32 $0x980;
	s17 =	simm.s32 $0xC000  }
0x250: {  	[tilespmem:s17], [sflag:$0x1] =	stream.indirect.gather [hbm4b:s8+s30], $0x10, s14, s30, $0xb8;
	[tilespmem:$0x1C580] =	vst v63  }
0x251: {  	s4 =	sadd.s32 s0, s31;
	s17 =	simm.s32 $0xA00  }
0x252: {  	[tilespmem:s17], [sflag:$0x6] =	stream.linear.gather [hbm4b:s4+s2], $0xA00, $0x38;
	[tilespmem:$0x1C580] =	vst v63  }
0x253: {  	_ =	swait.ge [sflag:s6], $0x800  }
0x254: {  	[sflag:s6] =	ssyncset.done $0x0  }
0x255: {  	[sflag:s6] =	ssyncadd.s32 $0xFFFFF800  }
0x256: {  	_ =	swait.ge [sflag:s6], $0x800  }
0x257: {  	[sflag:s6] =	ssyncset.done $0x0  }
0x258: {  	[sflag:s6] =	ssyncadd.s32 $0xFFFFF800  }
0x259: {  	_ =	swait.ge [sflag:s6], $0x800  }
0x25a: {  	[sflag:s6] =	ssyncset.done $0x0  }
0x25b: {  	[sflag:s6] =	ssyncadd.s32 $0xFFFFF800  }
0x25c: {  	_ =	swait.ge [sflag:s6], $0x800  }
0x25d: {  	[sflag:s6] =	ssyncset.done $0x0  }
0x25e: {  	[sflag:s6] =	ssyncadd.s32 $0xFFFFF800  }
0x25f: {  	_ =	swait.ge [sflag:s6], $0x800  }
0x260: {  	[sflag:s6] =	ssyncset.done $0x0  }
0x261: {  	[sflag:s6] =	ssyncadd.s32 $0xFFFFF800  }
0x262: {  	_ =	swait.ge [sflag:s6], $0x800  }
0x263: {  	[sflag:s6] =	ssyncset.done $0x0  }
0x264: {  	[sflag:s6] =	ssyncadd.s32 $0xFFFFF800  }
0x265: {  	_ =	swait.ge [sflag:s6], $0x800  }
0x266: {  	[sflag:s6] =	ssyncset.done $0x0  }
0x267: {  	[sflag:s6] =	ssyncadd.s32 $0xFFFFF800  }
0x268: {  	_ =	swait.ge [sflag:s6], $0x800  }
0x269: {  	[sflag:s6] =	ssyncset.done $0x0  }
0x26a: {  	[sflag:s6] =	ssyncadd.s32 $0xFFFFF800  }
0x26b: {  	_ =	swait.ge [sflag:s6], $0x800  }
0x26c: {  	[sflag:s6] =	ssyncset.done $0x0  }
0x26d: {  	[sflag:s6] =	ssyncadd.s32 $0xFFFFF800  }
0x26e: {  	_ =	swait.ge [sflag:s6], $0x800  }
0x26f: {  	[sflag:s6] =	ssyncset.done $0x0  }
0x270: {  	[sflag:s6] =	ssyncadd.s32 $0xFFFFF800  }
0x271: {  	_ =	swait.ge [sflag:s6], $0x800  }
0x272: {  	[sflag:s6] =	ssyncset.done $0x0  }
0x273: {  	[sflag:s6] =	ssyncadd.s32 $0xFFFFF800  }
0x274: {  	_ =	swait.ge [sflag:s6], $0x800  }
0x275: {  	[sflag:s6] =	ssyncset.done $0x0  }
0x276: {  	[sflag:s6] =	ssyncadd.s32 $0xFFFFF800  }
0x277: {  	_ =	swait.ge [sflag:s6], $0x800  }
0x278: {  	[sflag:s6] =	ssyncset.done $0x0  }
0x279: {  	[sflag:s6] =	ssyncadd.s32 $0xFFFFF800  }
0x27a: {  	_ =	swait.ge [sflag:s6], $0x800  }
0x27b: {  	[sflag:s6] =	ssyncset.done $0x0  }
0x27c: {  	[sflag:s6] =	ssyncadd.s32 $0xFFFFF800  }
0x27d: {  	_ =	swait.ge [sflag:s6], $0x800  }
0x27e: {  	[sflag:s6] =	ssyncset.done $0x0  }
0x27f: {  	[sflag:s6] =	ssyncadd.s32 $0xFFFFF800  }
0x280: {  	_ =	swait.ge [sflag:s6], $0x800  }
0x281: {  	[sflag:s6] =	ssyncset.done $0x0  }
0x282: {  	[sflag:s6] =	ssyncadd.s32 $0xFFFFF800  }
0x283: {  	_ =	swait.ge [sflag:s6], $0x800  }
0x284: {  	[sflag:s6] =	ssyncset.done $0x0  }
0x285: {  	[sflag:s6] =	ssyncadd.s32 $0xFFFFF800  }
0x286: {  	_ =	swait.ge [sflag:s6], $0x800  }
0x287: {  	[sflag:s6] =	ssyncset.done $0x0  }
0x288: {  	[sflag:s6] =	ssyncadd.s32 $0xFFFFF800  }
0x289: {  	_ =	swait.ge [sflag:s6], $0x800  }
0x28a: {  	[sflag:s6] =	ssyncset.done $0x0  }
0x28b: {  	[sflag:s6] =	ssyncadd.s32 $0xFFFFF800  }
0x28c: {  	_ =	swait.ge [sflag:s6], $0x800  }
0x28d: {  	s31 =	sld [smem:$0x7F7];
	_ =	sdelay $0x1  }
0x28e: {  	s4 =	simm.s32 $0x2800;
	[sflag:s6] =	ssyncset.done $0x0  }
0x28f: {  	s2 =	simm.s32 $0x6;
	[sflag:s6] =	ssyncadd.s32 $0xFFFFF800;
	s0 =	sadd.s32 s22, s31  }
0x290: {  	[hbm4b:s0+s23] =	stream.strided.scatter [tilespmem:s4], [sflag:$0x2], $0xA000, s26, s23, $0x38;
	[tilespmem:$0x1C580] =	vst v63  }
0x291: {  	_ =	swait.ge [sflag:s2], $0xA00  }
0x292: {  	[sflag:s2] =	ssyncset.done $0x0  }
0x293: {  	s12 =	simm.s32 $0x3;
	[sflag:s2] =	ssyncadd.s32 $0xFFFFF600  }
0x294: {  	_ =	swait.ge [sflag:s12], $0xA000  }
0x295: {  	[sflag:s12] =	ssyncset.done $0x0  }
0x296: {  	[sflag:s12] =	ssyncadd.s32 $0xFFFF6000  }
0x297: {  	[tilespmem:s16], [sflag:$0x1] =	stream.indirect.gather [hbm4b:s9+s30], $0x10, s17, s30, $0xb8;
	[tilespmem:$0x1C580] =	vst v63  }
0x298: {  	s31 =	simm.s32 $0xA80  }
0x299: {  	[tilespmem:s24], [sflag:$0x1] =	stream.indirect.gather [hbm4b:s9+s30], $0x10, s31, s30, $0xb8;
	[tilespmem:$0x1C580] =	vst v63  }
0x29a: {  	s2 =	simm.s32 $0xB00  }
0x29b: {  	[tilespmem:s19], [sflag:$0x1] =	stream.indirect.gather [hbm4b:s9+s30], $0x10, s2, s30, $0xb8;
	[tilespmem:$0x1C580] =	vst v63  }
0x29c: {  	s12 =	simm.s32 $0xB80  }
0x29d: {  	[tilespmem:s15], [sflag:$0x1] =	stream.indirect.gather [hbm4b:s9+s30], $0x10, s12, s30, $0xb8;
	[tilespmem:$0x1C580] =	vst v63  }
0x29e: {  	s17 =	simm.s32 $0xE800;
	s15 =	simm.s32 $0xC00  }
0x29f: {  	[tilespmem:s17], [sflag:$0x1] =	stream.indirect.gather [hbm4b:s9+s30], $0x10, s15, s30, $0xb8;
	[tilespmem:$0x1C580] =	vst v63  }
0x2a0: {  	s19 =	simm.s32 $0xC80  }
0x2a1: {  	[tilespmem:s10], [sflag:$0x1] =	stream.indirect.gather [hbm4b:s9+s30], $0x10, s19, s30, $0xb8;
	[tilespmem:$0x1C580] =	vst v63  }
0x2a2: {  	s24 =	simm.s32 $0xD00  }
0x2a3: {  	[tilespmem:s11], [sflag:$0x1] =	stream.indirect.gather [hbm4b:s9+s30], $0x10, s24, s30, $0xb8;
	[tilespmem:$0x1C580] =	vst v63  }
0x2a4: {  	s31 =	simm.s32 $0xD80  }
0x2a5: {  	[tilespmem:s18], [sflag:$0x1] =	stream.indirect.gather [hbm4b:s9+s30], $0x10, s31, s30, $0xb8;
	[tilespmem:$0x1C580] =	vst v63  }
0x2a6: {  	_ = 	snop  }
0x2a7: {  	[tilespmem:s20], [sflag:$0x1] =	stream.indirect.gather [hbm4b:s9+s30], $0x10, s28, s30, $0xb8;
	[tilespmem:$0x1C580] =	vst v63  }
0x2a8: {  	s2 =	simm.s32 $0xE80;
	s10 =	simm.s32 $0x11000  }
0x2a9: {  	[tilespmem:s10], [sflag:$0x1] =	stream.indirect.gather [hbm4b:s9+s30], $0x10, s2, s30, $0xb8;
	[tilespmem:$0x1C580] =	vst v63  }
0x2aa: {  	s12 =	simm.s32 $0x11800;
	s11 =	simm.s32 $0xF00  }
0x2ab: {  	[tilespmem:s12], [sflag:$0x1] =	stream.indirect.gather [hbm4b:s9+s30], $0x10, s11, s30, $0xb8;
	[tilespmem:$0x1C580] =	vst v63  }
0x2ac: {  	s15 =	simm.s32 $0xF80;
	s17 =	simm.s32 $0x12000  }
0x2ad: {  	[tilespmem:s17], [sflag:$0x1] =	stream.indirect.gather [hbm4b:s9+s30], $0x10, s15, s30, $0xb8;
	[tilespmem:$0x1C580] =	vst v63  }
0x2ae: {  	s19 =	simm.s32 $0x12800;
	s18 =	simm.s32 $0x1000  }
0x2af: {  	[tilespmem:s19], [sflag:$0x1] =	stream.indirect.gather [hbm4b:s9+s30], $0x10, s18, s30, $0xb8;
	[tilespmem:$0x1C580] =	vst v63  }
0x2b0: {  	s24 =	simm.s32 $0x13000;
	s20 =	simm.s32 $0x1080  }
0x2b1: {  	[tilespmem:s24], [sflag:$0x1] =	stream.indirect.gather [hbm4b:s9+s30], $0x10, s20, s30, $0xb8;
	[tilespmem:$0x1C580] =	vst v63  }
0x2b2: {  	s31 =	simm.s32 $0x13800;
	s28 =	simm.s32 $0x1100  }
0x2b3: {  	[tilespmem:s31], [sflag:$0x1] =	stream.indirect.gather [hbm4b:s9+s30], $0x10, s28, s30, $0xb8;
	[tilespmem:$0x1C580] =	vst v63  }
0x2b4: {  	s10 =	simm.s32 $0x1180;
	s11 =	simm.s32 $0x14000  }
0x2b5: {  	[tilespmem:s11], [sflag:$0x1] =	stream.indirect.gather [hbm4b:s9+s30], $0x10, s10, s30, $0xb8;
	[tilespmem:$0x1C580] =	vst v63  }
0x2b6: {  	s12 =	simm.s32 $0x1200;
	s15 =	simm.s32 $0x14800  }
0x2b7: {  	[tilespmem:s15], [sflag:$0x1] =	stream.indirect.gather [hbm4b:s9+s30], $0x10, s12, s30, $0xb8;
	[tilespmem:$0x1C580] =	vst v63  }
0x2b8: {  	p0 =	seq.s32 s1, $0x4;
	s17 =	simm.s32 $0x1280;
	s18 =	simm.s32 $0x15000  }
0x2b9: {  	[tilespmem:s18], [sflag:$0x1] =	stream.indirect.gather [hbm4b:s9+s30], $0x10, s17, s30, $0xb8;
	[tilespmem:$0x1C580] =	vst v63  }
0x2ba: {  	s19 =	simm.s32 $0x1300;
	s20 =	simm.s32 $0x15800;
	s12 =	sshrl.u32 @!p0 s21, $0x3  }
0x2bb: {  	[tilespmem:s20], [sflag:$0x1] =	stream.indirect.gather [hbm4b:s9+s30], $0x10, s19, s30, $0xb8;
	[tilespmem:$0x1C580] =	vst v63  }
0x2bc: {  	s24 =	simm.s32 $0x1380;
	s28 =	simm.s32 $0x16000;
	s12 =	sadd.s32 @!p0 s25, s12  }
0x2bd: {  	[tilespmem:s28], [sflag:$0x1] =	stream.indirect.gather [hbm4b:s9+s30], $0x10, s24, s30, $0xb8;
	[tilespmem:$0x1C580] =	vst v63  }
0x2be: {  	s21 =	simm.s32 @!p0 $0x0;
	s12 =	sadd.s32 @!p0 $0x140, s12  }
0x2bf: {  	[tilespmem:s21], [sflag:$0x5] =	stream.linear.gather @!p0 [hbm4b:s12+s21], $0xA00, $0x38;
	[tilespmem:$0x1C580] =	vst v63  }
0x2c0: {  	_ =	swait.ge [sflag:s6], $0x800  }
0x2c1: {  	[sflag:s6] =	ssyncset.done $0x0  }
0x2c2: {  	[sflag:s6] =	ssyncadd.s32 $0xFFFFF800  }
0x2c3: {  	_ =	swait.ge [sflag:s6], $0x800  }
0x2c4: {  	[sflag:s6] =	ssyncset.done $0x0  }
0x2c5: {  	[sflag:s6] =	ssyncadd.s32 $0xFFFFF800  }
0x2c6: {  	_ =	swait.ge [sflag:s6], $0x800  }
0x2c7: {  	[sflag:s6] =	ssyncset.done $0x0  }
0x2c8: {  	[sflag:s6] =	ssyncadd.s32 $0xFFFFF800  }
0x2c9: {  	_ =	swait.ge [sflag:s6], $0x800  }
0x2ca: {  	[sflag:s6] =	ssyncset.done $0x0  }
0x2cb: {  	[sflag:s6] =	ssyncadd.s32 $0xFFFFF800  }
0x2cc: {  	_ =	swait.ge [sflag:s6], $0x800  }
0x2cd: {  	[sflag:s6] =	ssyncset.done $0x0  }
0x2ce: {  	[sflag:s6] =	ssyncadd.s32 $0xFFFFF800  }
0x2cf: {  	_ =	swait.ge [sflag:s6], $0x800  }
0x2d0: {  	[sflag:s6] =	ssyncset.done $0x0  }
0x2d1: {  	[sflag:s6] =	ssyncadd.s32 $0xFFFFF800  }
0x2d2: {  	_ =	swait.ge [sflag:s6], $0x800  }
0x2d3: {  	[sflag:s6] =	ssyncset.done $0x0  }
0x2d4: {  	[sflag:s6] =	ssyncadd.s32 $0xFFFFF800  }
0x2d5: {  	_ =	swait.ge [sflag:s6], $0x800  }
0x2d6: {  	[sflag:s6] =	ssyncset.done $0x0  }
0x2d7: {  	[sflag:s6] =	ssyncadd.s32 $0xFFFFF800  }
0x2d8: {  	_ =	swait.ge [sflag:s6], $0x800  }
0x2d9: {  	[sflag:s6] =	ssyncset.done $0x0  }
0x2da: {  	[sflag:s6] =	ssyncadd.s32 $0xFFFFF800  }
0x2db: {  	_ =	swait.ge [sflag:s6], $0x800  }
0x2dc: {  	[sflag:s6] =	ssyncset.done $0x0  }
0x2dd: {  	[sflag:s6] =	ssyncadd.s32 $0xFFFFF800  }
0x2de: {  	_ =	swait.ge [sflag:s6], $0x800  }
0x2df: {  	[sflag:s6] =	ssyncset.done $0x0  }
0x2e0: {  	[sflag:s6] =	ssyncadd.s32 $0xFFFFF800  }
0x2e1: {  	_ =	swait.ge [sflag:s6], $0x800  }
0x2e2: {  	[sflag:s6] =	ssyncset.done $0x0  }
0x2e3: {  	[sflag:s6] =	ssyncadd.s32 $0xFFFFF800  }
0x2e4: {  	_ =	swait.ge [sflag:s6], $0x800  }
0x2e5: {  	[sflag:s6] =	ssyncset.done $0x0  }
0x2e6: {  	[sflag:s6] =	ssyncadd.s32 $0xFFFFF800  }
0x2e7: {  	_ =	swait.ge [sflag:s6], $0x800  }
0x2e8: {  	[sflag:s6] =	ssyncset.done $0x0  }
0x2e9: {  	[sflag:s6] =	ssyncadd.s32 $0xFFFFF800  }
0x2ea: {  	_ =	swait.ge [sflag:s6], $0x800  }
0x2eb: {  	[sflag:s6] =	ssyncset.done $0x0  }
0x2ec: {  	[sflag:s6] =	ssyncadd.s32 $0xFFFFF800  }
0x2ed: {  	_ =	swait.ge [sflag:s6], $0x800  }
0x2ee: {  	[sflag:s6] =	ssyncset.done $0x0  }
0x2ef: {  	[sflag:s6] =	ssyncadd.s32 $0xFFFFF800  }
0x2f0: {  	_ =	swait.ge [sflag:s6], $0x800  }
0x2f1: {  	[sflag:s6] =	ssyncset.done $0x0  }
0x2f2: {  	[sflag:s6] =	ssyncadd.s32 $0xFFFFF800  }
0x2f3: {  	_ =	swait.ge [sflag:s6], $0x800  }
0x2f4: {  	[sflag:s6] =	ssyncset.done $0x0  }
0x2f5: {  	[sflag:s6] =	ssyncadd.s32 $0xFFFFF800  }
0x2f6: {  	s1 =	sadd.s32 $0x1, s1;
	_ =	swait.ge [sflag:s6], $0x800  }
0x2f7: {  	p0 =	sne.s32 s1, $0x5;
	[sflag:s6] =	ssyncset.done $0x0  }
.Ltmp2:
0x2f8: {  	[sflag:s6] =	ssyncadd.s32 $0xFFFFF800;
	(pc) =	sbr.rel @p0 .LBB2_2-.Ltmp2, $4  }
0x2f9: {  	_ =	swait.ge [sflag:s6], $0x800  }
0x2fa: {  	s14 =	simm.s32 $0x0;
	[sflag:s6] =	ssyncset.done $0x0  }
0x2fb: {  	s31 =	sadd.s32 s22, s5;
	s21 =	simm.s32 $0x3000;
	[sflag:s6] =	ssyncadd.s32 $0xFFFFF800  }
0x2fc: {  	[hbm4b:s31+s23] =	stream.strided.scatter [tilespmem:s16], [sflag:$0x3], $0xA000, s26, s23, $0x38;
	[tilespmem:$0x1C580] =	vst v63  }
0x2fd: {  	s3 =	simm.s32 $0x2  }
0x2fe: {  	_ =	swait.ge [sflag:s3], $0xA000  }
0x2ff: {  	[sflag:s3] =	ssyncset.done $0x0  }
0x300: {  	s0 =	simm.s32 $0x3;
	[sflag:s3] =	ssyncadd.s32 $0xFFFF6000  }
0x301: {  	_ =	swait.ge [sflag:s0], $0xA000  }
0x302: {  	[sflag:s0] =	ssyncset.done $0x0  }
0x303: {  	s5 =	simm.s32 $0x4;
	[sflag:s0] =	ssyncadd.s32 $0xFFFF6000  }
0x304: {  	_ =	swait.ge [sflag:s5], $0x80  }
0x305: {  	[sflag:s5] =	ssyncset.done $0x0  }
0x306: {  	[sflag:s5] =	ssyncadd.s32 $0xFFFFFF80  }
0x307: {  	_ =	swait.ge [sflag:s5], $0x80  }
0x308: {  	[sflag:s5] =	ssyncset.done $0x0  }
0x309: {  	[sflag:s5] =	ssyncadd.s32 $0xFFFFFF80  }
0x30a: {  	_ =	swait.ge [sflag:s5], $0x80  }
0x30b: {  	[sflag:s5] =	ssyncset.done $0x0  }
0x30c: {  	[sflag:s5] =	ssyncadd.s32 $0xFFFFFF80  }
0x30d: {  	_ =	swait.ge [sflag:s5], $0x80  }
0x30e: {  	[sflag:s5] =	ssyncset.done $0x0  }
0x30f: {  	[sflag:s5] =	ssyncadd.s32 $0xFFFFFF80  }
0x310: {  	_ =	swait.ge [sflag:s5], $0x80  }
0x311: {  	[sflag:s5] =	ssyncset.done $0x0  }
0x312: {  	[sflag:s5] =	ssyncadd.s32 $0xFFFFFF80  }
0x313: {  	_ =	swait.ge [sflag:s5], $0x80  }
0x314: {  	[sflag:s5] =	ssyncset.done $0x0  }
0x315: {  	[sflag:s5] =	ssyncadd.s32 $0xFFFFFF80  }
0x316: {  	_ =	swait.ge [sflag:s5], $0x80  }
0x317: {  	[sflag:s5] =	ssyncset.done $0x0  }
0x318: {  	[sflag:s5] =	ssyncadd.s32 $0xFFFFFF80  }
0x319: {  	_ =	swait.ge [sflag:s5], $0x80  }
0x31a: {  	[sflag:s5] =	ssyncset.done $0x0  }
0x31b: {  	[sflag:s5] =	ssyncadd.s32 $0xFFFFFF80  }
0x31c: {  	_ =	swait.ge [sflag:s5], $0x80  }
0x31d: {  	[sflag:s5] =	ssyncset.done $0x0  }
0x31e: {  	[sflag:s5] =	ssyncadd.s32 $0xFFFFFF80  }
0x31f: {  	_ =	swait.ge [sflag:s5], $0x80  }
0x320: {  	[sflag:s5] =	ssyncset.done $0x0  }
0x321: {  	[sflag:s5] =	ssyncadd.s32 $0xFFFFFF80  }
0x322: {  	_ =	swait.ge [sflag:s5], $0x80  }
0x323: {  	s10 =	simm.s32 $0x16800;
	[sflag:s5] =	ssyncset.done $0x0  }
0x324: {  	s2 =	simm.s32 $0x16D80;
	s1 =	rddreg [dreg:$0x7];
	[sflag:s5] =	ssyncadd.s32 $0xFFFFFF80  }
0x325: {  	[tilespmem:s2], [sflag:$0x4] =	stream.indirect.gather [hbm4b:s1+s30], $0x10, s10, s30, $0xb8;
	[tilespmem:$0x1C580] =	vst v63  }
0x326: {  	s11 =	simm.s32 $0x16880;
	s18 =	rddreg [dreg:$0x8];
	s10 =	simm.s32 $0x17580  }
0x327: {  	[tilespmem:s10], [sflag:$0x4] =	stream.indirect.gather [hbm4b:s18+s30], $0x10, s11, s30, $0xb8;
	[tilespmem:$0x1C580] =	vst v63  }
0x328: {  	s12 =	simm.s32 $0x16900;
	s19 =	rddreg [dreg:$0x9];
	s11 =	simm.s32 $0x17D80  }
0x329: {  	[tilespmem:s11], [sflag:$0x4] =	stream.indirect.gather [hbm4b:s19+s30], $0x10, s12, s30, $0xb8;
	[tilespmem:$0x1C580] =	vst v63  }
0x32a: {  	s21 =	simm.s32 $0x16980;
	s14 =	simm.s32 $0x18580;
	s20 =	rddreg [dreg:$0x11]  }
0x32b: {  	[tilespmem:s14], [sflag:$0x4] =	stream.indirect.gather [hbm4b:s20+s30], $0x10, s21, s30, $0xb8;
	[tilespmem:$0x1C580] =	vst v63  }
0x32c: {  	s23 =	simm.s32 $0x16A00;
	s15 =	simm.s32 $0x18D80;
	s22 =	rddreg [dreg:$0xa]  }
0x32d: {  	[tilespmem:s15], [sflag:$0x4] =	stream.indirect.gather [hbm4b:s22+s30], $0x10, s23, s30, $0xb8;
	[tilespmem:$0x1C580] =	vst v63  }
0x32e: {  	s31 =	simm.s32 $0x16A80;
	s16 =	simm.s32 $0x19580  }
0x32f: {  	[tilespmem:s16], [sflag:$0x4] =	stream.indirect.gather [hbm4b:s7+s30], $0x10, s31, s30, $0xb8;
	[tilespmem:$0x1C580] =	vst v63  }
0x330: {  	s17 =	simm.s32 $0x19D80;
	s12 =	simm.s32 $0x16B00  }
0x331: {  	[tilespmem:s17], [sflag:$0x4] =	stream.indirect.gather [hbm4b:s8+s30], $0x10, s12, s30, $0xb8;
	[tilespmem:$0x1C580] =	vst v63  }
0x332: {  	s18 =	simm.s32 $0x1A580;
	s21 =	simm.s32 $0x16B80  }
0x333: {  	[tilespmem:s18], [sflag:$0x4] =	stream.indirect.gather [hbm4b:s9+s30], $0x10, s21, s30, $0xb8;
	[tilespmem:$0x1C580] =	vst v63  }
0x334: {  	s24 =	rddreg [dreg:$0xb];
	s19 =	simm.s32 $0x1AD80;
	s22 =	simm.s32 $0x16C00  }
0x335: {  	[tilespmem:s19], [sflag:$0x4] =	stream.indirect.gather [hbm4b:s24+s30], $0x10, s22, s30, $0xb8;
	[tilespmem:$0x1C580] =	vst v63  }
0x336: {  	s26 =	rddreg [dreg:$0xc];
	s20 =	simm.s32 $0x1B580;
	s23 =	simm.s32 $0x16C80  }
0x337: {  	[tilespmem:s20], [sflag:$0x4] =	stream.indirect.gather [hbm4b:s26+s30], $0x10, s23, s30, $0xb8;
	[tilespmem:$0x1C580] =	vst v63  }
0x338: {  	s28 =	rddreg [dreg:$0xf];
	s24 =	simm.s32 $0x16D00;
	s26 =	simm.s32 $0x1BD80  }
0x339: {  	[tilespmem:s26], [sflag:$0x4] =	stream.indirect.gather [hbm4b:s28+s30], $0x10, s24, s30, $0xb8;
	[tilespmem:$0x1C580] =	vst v63  }
0x33a: {  	_ =	swait.ge [sflag:s5], $0x800  }
0x33b: {  	[sflag:s5] =	ssyncset.done $0x0  }
0x33c: {  	[sflag:s5] =	ssyncadd.s32 $0xFFFFF800  }
0x33d: {  	_ =	swait.ge [sflag:s5], $0x800  }
0x33e: {  	[sflag:s5] =	ssyncset.done $0x0  }
0x33f: {  	[sflag:s5] =	ssyncadd.s32 $0xFFFFF800  }
0x340: {  	_ =	swait.ge [sflag:s5], $0x800  }
0x341: {  	[sflag:s5] =	ssyncset.done $0x0  }
0x342: {  	[sflag:s5] =	ssyncadd.s32 $0xFFFFF800  }
0x343: {  	_ =	swait.ge [sflag:s5], $0x800  }
0x344: {  	[sflag:s5] =	ssyncset.done $0x0  }
0x345: {  	[sflag:s5] =	ssyncadd.s32 $0xFFFFF800  }
0x346: {  	_ =	swait.ge [sflag:s5], $0x800  }
0x347: {  	[sflag:s5] =	ssyncset.done $0x0  }
0x348: {  	[sflag:s5] =	ssyncadd.s32 $0xFFFFF800  }
0x349: {  	_ =	swait.ge [sflag:s5], $0x800  }
0x34a: {  	[sflag:s5] =	ssyncset.done $0x0  }
0x34b: {  	[sflag:s5] =	ssyncadd.s32 $0xFFFFF800  }
0x34c: {  	_ =	swait.ge [sflag:s5], $0x800  }
0x34d: {  	[sflag:s5] =	ssyncset.done $0x0  }
0x34e: {  	[sflag:s5] =	ssyncadd.s32 $0xFFFFF800  }
0x34f: {  	_ =	swait.ge [sflag:s5], $0x800  }
0x350: {  	[sflag:s5] =	ssyncset.done $0x0  }
0x351: {  	[sflag:s5] =	ssyncadd.s32 $0xFFFFF800  }
0x352: {  	_ =	swait.ge [sflag:s5], $0x800  }
0x353: {  	[sflag:s5] =	ssyncset.done $0x0  }
0x354: {  	[sflag:s5] =	ssyncadd.s32 $0xFFFFF800  }
0x355: {  	_ =	swait.ge [sflag:s5], $0x800  }
0x356: {  	[sflag:s5] =	ssyncset.done $0x0  }
0x357: {  	[sflag:s5] =	ssyncadd.s32 $0xFFFFF800  }
0x358: {  	_ =	swait.ge [sflag:s5], $0x800  }
0x359: {  	s0 =	simm.s32 $0x10;
	[sflag:s5] =	ssyncset.done $0x0  }
0x35a: {  	s28 =	simm.s32 $0x50;
	[sflag:s5] =	ssyncadd.s32 $0xFFFFF800;
	s5 =	rddreg [dreg:$0x10]  }
0x35b: {  	[hbm4b:s5+s0] =	stream.strided.scatter [tilespmem:s2], [sflag:$0x2], $0x800, s28, s0, $0x38;
	[tilespmem:$0x1C580] =	vst v63  }
0x35c: {  	s2 =	sld [smem:$0x7F9];
	_ =	sdelay $0x1  }
0x35d: {  	s5 =	sld [smem:$0x7FA]  }
0x35e: {  	[hbm4b:s2+s0] =	stream.strided.scatter [tilespmem:s10], [sflag:$0x2], $0x800, s28, s0, $0x38;
	[tilespmem:$0x1C580] =	vst v63  }
0x35f: {  	s2 =	sld [smem:$0x7FB]  }
0x360: {  	[hbm4b:s5+s0] =	stream.strided.scatter [tilespmem:s11], [sflag:$0x2], $0x800, s28, s0, $0x38;
	[tilespmem:$0x1C580] =	vst v63  }
0x361: {  	s5 =	sld [smem:$0x7FC]  }
0x362: {  	[hbm4b:s2+s0] =	stream.strided.scatter [tilespmem:s14], [sflag:$0x2], $0x800, s28, s0, $0x38;
	[tilespmem:$0x1C580] =	vst v63  }
0x363: {  	_ = 	snop  }
0x364: {  	[hbm4b:s5+s0] =	stream.strided.scatter [tilespmem:s15], [sflag:$0x2], $0x800, s28, s0, $0x38;
	[tilespmem:$0x1C580] =	vst v63  }
0x365: {  	s2 =	rddreg [dreg:$0x13];
	s5 =	simm.s32 $0x30  }
0x366: {  	[hbm4b:s2+s0] =	stream.strided.scatter [tilespmem:s16], [sflag:$0x2], $0x800, s5, s0, $0x38;
	[tilespmem:$0x1C580] =	vst v63  }
0x367: {  	s16 =	rddreg [dreg:$0x14]  }
0x368: {  	[hbm4b:s16+s0] =	stream.strided.scatter [tilespmem:s17], [sflag:$0x2], $0x800, s5, s0, $0x38;
	[tilespmem:$0x1C580] =	vst v63  }
0x369: {  	s17 =	rddreg [dreg:$0x15]  }
0x36a: {  	[hbm4b:s17+s0] =	stream.strided.scatter [tilespmem:s18], [sflag:$0x2], $0x800, s5, s0, $0x38;
	[tilespmem:$0x1C580] =	vst v63  }
0x36b: {  	s18 =	rddreg [dreg:$0x16]  }
0x36c: {  	[hbm4b:s18+s0] =	stream.strided.scatter [tilespmem:s19], [sflag:$0x2], $0x800, s5, s0, $0x38;
	[tilespmem:$0x1C580] =	vst v63  }
0x36d: {  	s19 =	rddreg [dreg:$0x1a]  }
0x36e: {  	[hbm4b:s19+s0] =	stream.strided.scatter [tilespmem:s20], [sflag:$0x2], $0x800, s5, s0, $0x38;
	[tilespmem:$0x1C580] =	vst v63  }
0x36f: {  	s20 =	rddreg [dreg:$0x1d]  }
0x370: {  	[hbm4b:s20+s0] =	stream.strided.scatter [tilespmem:s26], [sflag:$0x2], $0x800, s5, s0, $0x38;
	[tilespmem:$0x1C580] =	vst v63  }
0x371: {  	_ =	swait.ge [sflag:s3], $0x800  }
0x372: {  	[sflag:s3] =	ssyncset.done $0x0  }
0x373: {  	[sflag:s3] =	ssyncadd.s32 $0xFFFFF800  }
0x374: {  	_ =	swait.ge [sflag:s3], $0x800  }
0x375: {  	[sflag:s3] =	ssyncset.done $0x0  }
0x376: {  	[sflag:s3] =	ssyncadd.s32 $0xFFFFF800  }
0x377: {  	_ =	swait.ge [sflag:s3], $0x800  }
0x378: {  	[sflag:s3] =	ssyncset.done $0x0  }
0x379: {  	[sflag:s3] =	ssyncadd.s32 $0xFFFFF800  }
0x37a: {  	_ =	swait.ge [sflag:s3], $0x800  }
0x37b: {  	[sflag:s3] =	ssyncset.done $0x0  }
0x37c: {  	[sflag:s3] =	ssyncadd.s32 $0xFFFFF800  }
0x37d: {  	_ =	swait.ge [sflag:s3], $0x800  }
0x37e: {  	[sflag:s3] =	ssyncset.done $0x0  }
0x37f: {  	[sflag:s3] =	ssyncadd.s32 $0xFFFFF800  }
0x380: {  	_ =	swait.ge [sflag:s3], $0x800  }
0x381: {  	[sflag:s3] =	ssyncset.done $0x0  }
0x382: {  	[sflag:s3] =	ssyncadd.s32 $0xFFFFF800  }
0x383: {  	_ =	swait.ge [sflag:s3], $0x800  }
0x384: {  	[sflag:s3] =	ssyncset.done $0x0  }
0x385: {  	[sflag:s3] =	ssyncadd.s32 $0xFFFFF800  }
0x386: {  	_ =	swait.ge [sflag:s3], $0x800  }
0x387: {  	[sflag:s3] =	ssyncset.done $0x0  }
0x388: {  	[sflag:s3] =	ssyncadd.s32 $0xFFFFF800  }
0x389: {  	_ =	swait.ge [sflag:s3], $0x800  }
0x38a: {  	[sflag:s3] =	ssyncset.done $0x0  }
0x38b: {  	[sflag:s3] =	ssyncadd.s32 $0xFFFFF800  }
0x38c: {  	_ =	swait.ge [sflag:s3], $0x800  }
0x38d: {  	[sflag:s3] =	ssyncset.done $0x0  }
0x38e: {  	[sflag:s3] =	ssyncadd.s32 $0xFFFFF800  }
0x38f: {  	_ =	swait.ge [sflag:s3], $0x800  }
0x390: {  	s26 =	sld [smem:$0x7EF]  }
0x391: {  	s28 =	sld [smem:$0x7F6];
	_ =	sdelay $0x1  }
0x392: {  	s0 =	sadd.s32 $0x1, s26  }
0x393: {  	p0 =	sne.s32 s0, s28  }
.Ltmp3:
0x394: {  	_ = 	snop;
	(pc) =	sbr.rel @p0 .LBB2_1-.Ltmp3, $4  }
0x395: {  	_ = 	snop  }
0x396: {  	s10 =	simm.s32 $0x16880  }
0x397: {  	s11 =	simm.s32 $0x16900;
	s14 =	simm.s32 $0x16980;
	[sflag:s3] =	ssyncset.done $0x0  }
0x398: {  	s15 =	simm.s32 $0x16A00;
	[sflag:s3] =	ssyncadd.s32 $0xFFFFF800;
	s3 =	simm.s32 $0x16800  }
0x399: {  	_ =	sfence.sel $0x180000  }
0x39a: {  	[bflag:$0x0] =	sbarrier.arrive $0xFFFF  }
0x39b: {  	_ =	strace $0x90000047  }
0x39c: {  	s0 =	stileid.u32;
	[bflag:$0x2] =	sbarrier.arrive $0xFFFF  }
0x39d: {  	p0 =	sne.s32 s0, $0x0;
	s0 =	rddreg [dreg:$0x6]  }
0x39e: {  	s0 =	sadd.s32 @!p0 $0x100000, s0  }
0x39f: {  	[sflag:s0] =	ssyncadd.tile.s32 @!p0 $0x1;
	_ =	shalt  }
.Lfunc_end2:
_tile_overlayer_lowered:
.L_overlay_start_2:
0x3a0: {  	(tag) =	ssettag $0x2  }
0x3a1: {  	s0 =	rddreg [dreg:$0x0];
	s2 =	stileid.u32  }
0x3a2: {  	s1 =	rddreg [dreg:$0x1];
	p0 =	sne.s32 s2, $0x0  }
0x3a3: {  	s3 =	rddreg [dreg:$0x2];
	[bflag:$0x3] =	sbarrier.arrive $0xFFFF;
	s2 =	simm.s32 @!p0 $0x1C07  }
0x3a4: {  	[timem:s3], [sflag:s2] =	dma.local @!p0 [hbm:s0], s1  }
0x3a5: {  	s0 =	simm.s32 @!p0 $0x7  }
0x3a6: {  	_ =	swait.ge @!p0 [sflag:s0], s1  }
0x3a7: {  	s1 =	ssub.s32 @!p0 $0x0, s1;
	[sflag:s0] =	ssyncset.done @!p0 $0x0  }
0x3a8: {  	[sflag:s0] =	ssyncadd.s32 @!p0 s1  }
0x3a9: {  	[bflag:$0x3] =	sbarrier.arrive $0xFFFF  }
0x3aa: {  	_ =	shalt  }

// kernel: sparse-core-data-format-call.cloned.1.call-start
scs
called_computation_lowered:
.L_overlay_start_0:
0x0: {  	s2 =	sld [smem:$0x3FD9]  }
0x1: {  	s3 =	sld [smem:$0x3FFE];
	_ =	sdelay $0x1  }
0x2: {  	s1 =	srdreg.scid  }
0x3: {  	s0 =	sand.u32 $0x1, s1  }
0x4: {  	s15 =	sshll.u32 s0, $0xA;
	s2 =	sadd.s32 s3, s2  }
0x5: {  	s2 =	sadd.s32 s2, s15  }
0x6: {  	[smem:$0x3FB9] =	sst s2  }
0x7: {  	_ = 	snop  }
0x8: {  	s2 =	sld [smem:$0x3FD0];
	_ =	sdelay $0x2  }
0x9: {  	s16 =	simm.s32 $0xA;
	s4 =	simm.s32 $0x10  }
0xa: {  	[smem:s4], [sflag:s16] =	dma.local [hbm:s2], $0x1  }
0xb: {  	_ =	swait.eq [sflag:s16], $0x1  }
0xc: {  	[sflag:s16] =	ssyncset.done $0x0  }
0xd: {  	[sflag:s16] =	ssyncadd.s32 $0xFFFFFFFF  }
0xe: {  	s17 =	sld [smem:$0x12];
	(tm) =	ssettm $0x1  }
0xf: {  	s18 =	sld [smem:$0x3FFB];
	_ =	sdelay $0x3  }
0x10: {  	_ =	strace s18  }
0x11: {  	s3 =	sld [smem:$0x3FFC];
	_ =	sdelay $0x3  }
0x12: {  	_ =	strace s3  }
0x13: {  	s3 =	sld [smem:$0x3FFD];
	_ =	sdelay $0x3  }
0x14: {  	_ =	strace s3  }
0x15: {  	_ =	strace $0x8FFFFFFF  }
0x16: {  	s19 =	sld [smem:$0x3FDB];
	_ =	sdelay $0x1  }
0x17: {  	s20 =	simm.s32 $_scs_section_size  }
0x18: {  	s5 =	simm.s32 $_size__tile_overlayer_lowered;
	s6 =	simm.s32 $_tile_overlayer_lowered  }
0x19: {  	s23 =	simm.s32 $0x1BFF;
	s22 =	sshll.u32 s6, $0x1;
	s3 =	sadd.s32 s20, s19  }
0x1a: {  	s7 =	simm.s32 $0x0;
	s21 =	sshll.u32 s5, $0x1;
	s5 =	sadd.s32 s22, s3  }
0x1b: {  	[timem:s7], [sflag:s23] =	dma.local [hbm:s5], s21  }
0x1c: {  	_ =	swait.ge [sflag:s23], s21  }
0x1d: {  	s4 =	ssub.s32 $0x0, s21;
	[sflag:s23] =	ssyncset.done $0x0  }
0x1e: {  	[sflag:s23] =	ssyncadd.s32 s4;
	_ =	sdelay $0x1  }
0x1f: {  	s24 =	simm.s32 $0x1B8B  }
0x20: {  	_ =	swait.ge [sflag:s24], $0x1  }
0x21: {  	[sflag:s24] =	ssyncset.done $0x0  }
0x22: {  	s26 =	simm.s32 $0x1B8E;
	s25 =	sld [smem:$0x3FFE];
	[sflag:s24] =	ssyncadd.s32 $0xFFFFFFFF  }
0x23: {  	s27 =	simm.s32 $execute0_lowered;
	[smem:$0x3FD2] =	sst s26  }
0x24: {  	s5 =	sshll.u32 s27, $0x1;
	_ =	strace $0x80000049;
	[dreg:$0x1] =	wrdreg $0xFFFFFFFF  }
0x25: {  	s28 =	simm.s32 $_size_execute0_lowered;
	s3 =	sadd.s32 s3, s5;
	[dreg:$0x0] =	wrdreg $0x0  }
0x26: {  	s5 =	sshll.u32 s28, $0x1;
	[dreg:$0x2] =	wrdreg s3  }
0x27: {  	[dreg:$0x3] =	wrdreg s5  }
0x28: {  	[dreg:$0x4] =	wrdreg $0xC0  }
0x29: {  	_ =	task [dreg:s7], $0x5FFFF  }
0x2a: {  	[dreg:$0x1] =	wrdreg $0xFFFFFFFF  }
0x2b: {  	[dreg:$0x0] =	wrdreg $0x60  }
0x2c: {  	[dreg:$0x2] =	wrdreg s25  }
0x2d: {  	[dreg:$0x3] =	wrdreg s17  }
0x2e: {  	[dreg:$0x4] =	wrdreg $0x9  }
0x2f: {  	_ =	task.clear_ibuf [dreg:s7], $0x5FFFF;
	_ =	strace $0x90000049  }
0x30: {  	s29 =	simm.s32 $0x9;
	_ =	strace $0x8000004B  }
0x31: {  	_ =	swait.ge [sflag:s29], $0x1  }
0x32: {  	[sflag:s29] =	ssyncadd.s32 $0xFFFFFFFF  }
0x33: {  	_ =	strace $0x9000004B  }
0x34: {  	_ =	sfence  }
0x35: {  	s30 =	sld [smem:$0x0];
	_ =	sdelay $0x2  }
0x36: {  	s31 =	sshll.u32 s1, $0xD;
	s1 =	sshrl.u32 s1, $0x2  }
0x37: {  	s3 =	sand.u32 $0x4000, s31;
	s1 =	sadd.s32 s1, s30  }
0x38: {  	s0 =	sor.u32 s3, s0;
	s1 =	sshll.u32 s1, $0x11  }
0x39: {  	s0 =	sor.u32 s1, s0  }
0x3a: {  	s0 =	sadd.s32 $0x8F2B, s0  }
0x3b: {  	[sflag:s0] =	ssyncadd.remote.s32 $0x1  }
0x3c: {  	_ =	sfence.sel $0xFFFF  }
0x3d: {  	[dreg:$0x0] =	wrdreg $0xFFFFFFFF;
	(pc) =	sbr.abs _section_cstart, $3  }
0x3e: {  	[dreg:$0x1] =	wrdreg $0xFFFFFFFF  }
0x3f: {  	_ =	task.clear_ibuf [dreg:s7], $0x2FFFF;
	_ =	strace $0x9FFFFFFF  }
0x40: {  	(tm) =	ssettm $0x7FFFFFFF  }
0x41: {  	_ =	shalt  }
tec
execute0_lowered:
.L_overlay_start_1:
0x0: {  	(tag) =	ssettag $0x1  }
0x1: {  	s0 =	srdreg.scid  }
0x2: {  	s1 =	sshll.u32 s0, $0x4  }
0x3: {  	s6 =	rddreg [dreg:$0x0];
	s0 =	stileid.u32;
	s1 =	sand.u32 $0x10, s1  }
0x4: {  	s3 =	rddreg [dreg:$0x1];
	s1 =	sor.u32 s0, s1  }
0x5: {  	s5 =	simm.s32 $0x1;
	s31 =	simm.s32 $0x2;
	s2 =	sshll.u32 s1, $0x7  }
0x6: {  	s15 =	simm.s32 $0x0;
	s8 =	simm.s32 $0x8000;
	s4 =	ssub.s32 $0x1000, s2  }
0x7: {  	s14 =	simm.s32 $0x0;
	s9 =	simm.s32 $0x0;
	s30 =	sand.u32 $0xF80, s4  }
0x8: {  	s10 =	simm.s32 $0x0;
	s11 =	simm.s32 $0x0;
	p0 =	sne.s32 s30, $0x0  }
.Ltmp0:
0x9: {  	s7 =	sshrl.u32 s4, $0xC;
	s5 =	simm.s32 @!p0 $0x0;
	(pc) =	sbr.rel .LBB1_1-.Ltmp0, $4  }
0xa: {  	s13 =	simm.s32 $0x0;
	s1 =	rddreg [dreg:$0x2];
	s5 =	sadd.s32 s5, s7  }
0xb: {  	_ =	strace $0x8000004A;
	s4 =	simm.s32 $0x1;
	s5 =	smul.u32 $0xC8, s5  }
0xc: {  	s6 =	sadd.s32 $0x1F7800, s6;
	s12 =	smov.u32 s2;
	[sflag:s4] =	ssyncpa.u1 $0x0  }
0xd: {  	[sflag:s31] =	ssyncpa.u1 $0x0;
	p0 =	por $0x0, $0x0;
	s7 =	sor.u32 $0x1, s5  }
.LBB1_4:
0xe: {  	s18 =	sshll.u32 s10, $0x3  }
0xf: {  	p1 =	sgt.s32 s9, $0xC7;
	s19 =	smov.u32 s9;
	s21 =	sshra.s32 s9, $0x1F  }
0x10: {  	s22 =	smov.u32 s10;
	s23 =	sshra.s32 s10, $0x1F;
	s25 =	sand.u32 $0x78, s10  }
0x11: {  	s27 =	smul.u32 $0x6000, s9;
	s28 =	sand.u32 $0x7, s10;
	s20 =	sshrl.u32 s18, $0xC  }
0x12: {  	s19 =	simm.s32 @!p1 $0xC7;
	s21 =	sand.u32 s21, s9;
	p1 =	sgt.s32 s10, $0xF80  }
0x13: {  	s30 =	sand.u32 s23, s10;
	s18 =	sand.u32 $0xC00, s18;
	s19 =	ssub.s32 s19, s21  }
0x14: {  	s22 =	simm.s32 @!p1 $0xF80;
	s31 =	smulhi.u32 $0x5555556, s20;
	s24 =	ssub.s32 $0xC8, s19  }
0x15: {  	s21 =	ssub.s32 s22, s30;
	s19 =	sadd.s32 $0xFFFFFF39, s19;
	s24 =	smul.u32 $0x30, s24  }
0x16: {  	s23 =	smul.u32 $0x30, s31;
	p1 =	sgt.s32 s19, $0x0;
	s26 =	sadd.s32 $0xFFFFF080, s21  }
0x17: {  	s19 =	ssub.s32 $0x1000, s21;
	s24 =	simm.s32 @p1 $0x0;
	p1 =	sgt.s32 s26, $0x7F  }
0x18: {  	s18 =	sor.u32 s25, s18;
	s20 =	ssub.s32 s20, s23;
	s19 =	simm.s32 @p1 $0x0  }
0x19: {  	[tilespmem:s17+$0x810 ss:$0x81] =	vst.msk $0xffff, v2;
	s21 =	sadd.s32 s3, s27;
	s20 =	sshll.u32 s20, $0x9;
	s19 =	smul.u32 s19, s24  }
0x1a: {  	[tilespmem:s17+$0x1020 ss:$0x81] =	vst.msk $0xffff, v0;
	s29 =	sshll.u32 s28, $0x12;
	s18 =	sshrl.u32 s18, $0x3;
	s20 =	sadd.s32 s20, s21  }
0x1b: {  	[tilespmem:s17+$0x0 ss:$0x81] =	vst.msk $0xffff, v1;
	s31 =	sor.u32 $0x400, s29;
	s18 =	sadd.s32 s18, s20;
	s30 =	sand.u32 $0x3FFFFFF0, s19  }
0x1c: {  	[hbm4b:s18+s31] =	stream.strided.scatter [tilespmem:s16], [sflag:$0x2], s30, s8, s31, $0x20;
	[tilespmem:$0x8080] =	vst v63  }
.LBB1_5:
0x1d: {  	p1 =	slt.u32 s13, $0x2  }
0x1e: {  	s17 =	smov.u32 s15;
	p2 =	sgt.s32 @!p1 s15, $0xC7;
	s16 =	sshra.s32 @!p1 s15, $0x1F  }
0x1f: {  	p3 =	sgt.s32 @!p1 s14, $0xF80;
	s18 =	sshra.s32 @!p1 s14, $0x1F;
	p2 =	por !p2, p1  }
0x20: {  	s15 =	sand.u32 @!p1 s16, s15;
	p3 =	por !p3, p1;
	s16 =	smov.u32 s14  }
0x21: {  	s14 =	sand.u32 @!p1 s18, s14;
	s17 =	simm.s32 @p2 $0xC7;
	s16 =	simm.s32 @p3 $0xF80  }
0x22: {  	s18 =	smov.u32 s12;
	s15 =	ssub.s32 @!p1 s17, s15;
	s14 =	ssub.s32 @!p1 s16, s14  }
0x23: {  	s16 =	sadd.s32 @!p1 $0xFFFFFF39, s15;
	s15 =	ssub.s32 @!p1 $0xC8, s15;
	s17 =	sadd.s32 @!p1 $0xFFFFF080, s14  }
0x24: {  	p2 =	sgt.s32 @!p1 s16, $0x0;
	s15 =	smul.u32 @!p1 $0x30, s15;
	p3 =	sgt.s32 @!p1 s17, $0x7F  }
0x25: {  	s14 =	ssub.s32 @!p1 $0x1000, s14;
	p2 =	por !p2, p1;
	p3 =	por !p3, p1  }
0x26: {  	s16 =	sadd.s32 $0x1, s11;
	s15 =	simm.s32 @!p2 $0x0;
	s14 =	simm.s32 @!p3 $0x0  }
0x27: {  	p2 =	sgt.s32 s16, $0xC7;
	s14 =	smul.u32 @!p1 s14, s15;
	s15 =	sadd.s32 $0x1000, s12  }
0x28: {  	s18 =	smov.u32 @p2 s15  }
0x29: {  	s16 =	simm.s32 @p2 $0x0;
	p2 =	sgt.s32 s18, $0xFFF  }
0x2a: {  	s18 =	smov.u32 @p2 s2;
	p2 =	sne.s32 s13, s7  }
.Ltmp1:
0x2b: {  	p0 =	por !p0, !p0;
	s17 =	simm.s32 @!p1 $0x2;
	(pc) =	sbr.rel @!p2 .LBB1_6-.Ltmp1, $4  }
0x2c: {  	s15 =	smov.u32 s9;
	s9 =	smov.u32 s11;
	s14 =	sand.u32 @!p1 $0x3FFFFFF0, s14  }
0x2d: {  	s11 =	smov.u32 s16;
	_ =	swait.ge @!p1 [sflag:s17], s14;
	s19 =	ssub.s32 @!p1 $0x0, s14  }
0x2e: {  	s14 =	smov.u32 s10;
	s13 =	sadd.s32 $0x1, s13;
	[sflag:s17] =	ssyncset.done @!p1 $0x0  }
0x2f: {  	s10 =	smov.u32 s12;
	s12 =	smov.u32 s18;
	[sflag:s17] =	ssyncadd.s32 @!p1 s19  }
.LBB1_1:
0x30: {  	p1 =	sge.u32 s13, s5  }
0x31: {  	s16 =	sand.u32 @!p1 $0x1FFFFFF, s11  }
0x32: {  	s17 =	smulhi.u32 @!p1 $0x147AE15, s16;
	_ =	sdelay $0x1  }
0x33: {  	s17 =	smul.u32 @!p1 $0xC8, s17  }
0x34: {  	s18 =	sxor.u32 @!p1 $0xFFFFFFFF, s13;
	s19 =	smul.u32 @!p1 $0xC80, s12  }
0x35: {  	s31 =	sadd.s32 $0xFFFFFFFF, s13;
	s18 =	sshll.u32 @!p1 s18, $0xD;
	s16 =	ssub.s32 @!p1 s16, s17  }
0x36: {  	s17 =	sand.u32 @!p1 $0x2000, s18;
	s18 =	sadd.s32 @!p1 s6, s19;
	s16 =	sshll.u32 @!p1 s16, $0x4  }
0x37: {  	s19 =	simm.s32 @!p1 $0x6400;
	s16 =	sadd.s32 @!p1 s16, s18;
	s18 =	simm.s32 @!p1 $0x40  }
0x38: {  	[tilespmem:s17], [sflag:$0x1] =	stream.strided.gather @!p1 [hbm4b:s16+s18], $0x2000, s19, s18, $0x38;
	[tilespmem:$0x8080] =	vst v63  }
0x39: {  	p1 =	sge.u32 s31, s5  }
.Ltmp2:
0x3a: {  	_ = 	snop;
	(pc) =	sbr.rel @p1 .LBB1_5-.Ltmp2, $1  }
0x3b: {  	_ =	sdelay $0x3  }
0x3c: {  	s16 =	simm.s32 $0x1  }
0x3d: {  	_ =	swait.ge [sflag:s4], $0x2000;
	s16 =	simm.s32 @!p0 $0x0  }
0x3e: {  	[sflag:s4] =	ssyncset.done $0x0;
	s17 =	sshll.u32 s16, $0xD  }
0x3f: {  	[sflag:s4] =	ssyncadd.s32 $0xFFFFE000;
	s20 =	sor.u32 $0x20, s17  }
0x40: {  	s16 =	smul.u32 $0x8100, s16;
	v3 =	vld [tilespmem:s20+$0x10]  }
0x41: {  	s30 =	sand.u32 $0x1, s13;
	v2 =	vld [tilespmem:s20+$0xFFFFFFF0]  }
0x42: {  	s17 =	smul.u32 $0x8100, s30;
	s16 =	sshrl.u32 s16, $0x2;
	v0 =	vld [tilespmem:s20+$0x0]  }
0x43: {  	v1 =	vld [tilespmem:s20+$0xFFFFFFE0];
	s18 =	sor.u32 $0x4000, s16  }
0x44: {  	s31 =	sshrl.u32 s17, $0x2;
	s17 =	sadd.s32 $0x0, s18  }
0x45: {  	s19 =	simm.s32 $0x4;
	s20 =	sadd.s32 $0x40, s20;
	s16 =	sor.u32 $0x4000, s31;
	[tilespmem:s17+$0x1830 ss:$0x81] =	vst.msk $0xffff, v3  }
.LBB1_3:
0x46: {  	v3 =	vld [tilespmem:s20+$0x10];
	p1 =	sne.s32 s19, $0x1FC;
	[tilespmem:s17+$0x810 ss:$0x81] =	vst.msk $0xffff, v2;
	s21 =	smov.u32 s19;
	s19 =	sadd.s32 $0x4, s19  }
.Ltmp3:
0x47: {  	v2 =	vld [tilespmem:s20+$0xFFFFFFF0];
	[tilespmem:s17+$0x1020 ss:$0x81] =	vst.msk $0xffff, v0;
	(pc) =	sbr.rel @p1 .LBB1_3-.Ltmp3, $4  }
0x48: {  	v0 =	vld [tilespmem:s20+$0x0];
	[tilespmem:s17+$0x0 ss:$0x81] =	vst.msk $0xffff, v1  }
0x49: {  	s17 =	sshra.s32 s21, $0x2;
	v1 =	vld [tilespmem:s20+$0xFFFFFFE0]  }
0x4a: {  	s17 =	sadd.s32 s17, s18  }
0x4b: {  	s20 =	sadd.s32 $0x40, s20;
	[tilespmem:s17+$0x1830 ss:$0x81] =	vst.msk $0xffff, v3  }
.Ltmp4:
0x4c: {  	_ = 	snop;
	(pc) =	sbr.rel .LBB1_4-.Ltmp4, $1  }
0x4d: {  	_ =	sdelay $0x3  }
.LBB1_6:
0x4e: {  	_ =	sfence.sel $0x180000  }
0x4f: {  	s2 =	simm.s32 $0x1;
	[bflag:$0x0] =	sbarrier.arrive $0xFFFF  }
0x50: {  	s31 =	simm.s32 $0x2;
	[sflag:s2] =	ssyncpa.u1 $0x1  }
0x51: {  	[sflag:s31] =	ssyncpa.u1 $0x1  }
0x52: {  	p0 =	sne.s32 s0, $0x0;
	_ =	strace $0x9000004A  }
0x53: {  	s0 =	sadd.s32 @!p0 $0x100000, s1;
	[bflag:$0x2] =	sbarrier.arrive $0xFFFF  }
0x54: {  	[sflag:s0] =	ssyncadd.tile.s32 @!p0 $0x1;
	_ =	shalt  }
.Lfunc_end1:
_tile_overlayer_lowered:
.L_overlay_start_2:
0x55: {  	(tag) =	ssettag $0x2  }
0x56: {  	s0 =	rddreg [dreg:$0x0];
	s2 =	stileid.u32  }
0x57: {  	s1 =	rddreg [dreg:$0x1];
	p0 =	sne.s32 s2, $0x0  }
0x58: {  	s3 =	rddreg [dreg:$0x2];
	[bflag:$0x3] =	sbarrier.arrive $0xFFFF;
	s2 =	simm.s32 @!p0 $0x1C01  }
0x59: {  	[timem:s3], [sflag:s2] =	dma.local @!p0 [hbm:s0], s1  }
0x5a: {  	s0 =	simm.s32 @!p0 $0x1  }
0x5b: {  	_ =	swait.ge @!p0 [sflag:s0], s1  }
0x5c: {  	s1 =	ssub.s32 @!p0 $0x0, s1;
	[sflag:s0] =	ssyncset.done @!p0 $0x0  }
0x5d: {  	[sflag:s0] =	ssyncadd.s32 @!p0 s1  }
0x5e: {  	[bflag:$0x3] =	sbarrier.arrive $0xFFFF  }
0x5f: {  	_ =	shalt  }

</sc_bundles>
